<compile_context>
chip_gen: v7x
topology: tpu7x:2x2x1
jax: 0.10.2.dev20260603
libtpu: 0.0.44.dev20260713+nightly
codegen_flags: <defaults>
</compile_context>

<pallas_src>
import jax
import jax.numpy as jnp
from jax import lax
from jax.experimental import pallas as pl
from jax.experimental.pallas import tpu as pltpu
from jax.experimental.pallas import tpu_sc as plsc

NUM_EMB = 1000000
DIM = 32

NC = 2
NS = 16
NW = NC * NS

B = 4096
S = 50
NB = B // 128

TR_BLK = 16384


def _tr_body(wt_ref, out_ref):
    out_ref[:, 0:DIM] = wt_ref[...].T


def _transpose_table(wt):
    grid = (NUM_EMB + TR_BLK - 1) // TR_BLK
    return pl.pallas_call(
        _tr_body,
        grid=(grid,),
        in_specs=[pl.BlockSpec((DIM, TR_BLK), lambda i: (0, i))],
        out_specs=pl.BlockSpec((TR_BLK, 128), lambda i: (i, 0)),
        out_shape=jax.ShapeDtypeStruct((NUM_EMB, 128), jnp.float32),
    )(wt)


def _transpose_block(rows, trans, row_idx):
    @plsc.parallel_loop(0, DIM, step=1, unroll=4)
    def _(c):
        col = jnp.full((16,), 0, jnp.int32) + c
        for l0 in range(8):
            v = plsc.load_gather(rows, [row_idx[l0], col])
            trans[c, pl.ds(l0 * 16, 16)] = v


def _gather_body(xt_hbm, w_hbm, out_hbm, idx_v, rows_v, trans_v,
                 sg0, sg1, so0, so1):
    c = lax.axis_index("c")
    s = lax.axis_index("s")
    nb = s * NC + c

    pltpu.sync_copy(xt_hbm.at[:, pl.ds(nb * 128, 128)], idx_v)

    iota = lax.iota(jnp.int32, 16)
    row_idx = [iota + (l0 * 16) for l0 in range(8)]
    sgs = (sg0, sg1)
    sos = (so0, so1)

    def gather(j, p):
        return pltpu.async_copy(w_hbm.at[idx_v.at[j]], rows_v.at[p], sgs[p])

    def put(j, p):
        for a in range(4):
            pltpu.async_copy(trans_v.at[p, pl.ds(a * 8, 8)],
                             out_hbm.at[j, a, nb], sos[p])

    def drain_put(p):
        for a in range(4):
            pltpu.make_async_copy(trans_v.at[p, pl.ds(a * 8, 8)],
                                  out_hbm.at[0, a, nb], sos[p]).wait()

    gather(0, 0)
    gather(1, 1)

    def step(i, _):
        for p in range(2):
            j = 2 * i + p
            @pl.when(i > 0)
            def _():
                drain_put(p)
            pltpu.make_async_copy(w_hbm.at[idx_v.at[j]], rows_v.at[p],
                                  sgs[p]).wait()
            _transpose_block(rows_v.at[p], trans_v.at[p], row_idx)
            put(j, p)

            @pl.when(j + 2 < S)
            def _():
                gather(j + 2, p)
        return None

    lax.fori_loop(0, S // 2, step, None)
    for p in range(2):
        drain_put(p)


@jax.jit
def _run(xt, wt):
    w_lin = _transpose_table(wt)
    mesh = plsc.VectorSubcoreMesh(core_axis_name="c", subcore_axis_name="s")
    o5 = pl.kernel(
        _gather_body,
        out_type=jax.ShapeDtypeStruct((S, 4, NB, 8, 128), jnp.float32),
        mesh=mesh,
        compiler_params=pltpu.CompilerParams(use_tc_tiling_on_sc=False,
                                             needs_layout_passes=False),
        scratch_types=[
            pltpu.VMEM((S, 128), jnp.int32),
            pltpu.VMEM((2, 128, 128), jnp.float32),
            pltpu.VMEM((2, DIM, 128), jnp.float32),
            pltpu.SemaphoreType.DMA,
            pltpu.SemaphoreType.DMA,
            pltpu.SemaphoreType.DMA,
            pltpu.SemaphoreType.DMA,
        ],
    )(xt, w_lin)
    return o5.transpose(2, 4, 0, 1, 3).reshape(B, S, DIM)


def kernel(x, weight):
    return _run(x.astype(jnp.int32).T, weight.T)

# --- scband reference (transcript-rebuilt; emitter-appended) ---
"""Pipeline reference for scband-embedding-25898652794908 (READ-ONLY COPY).

The authoritative reference and input builder live on the scoring server;
editing this copy changes nothing except your own understanding.
"""

import jax, jax.numpy as jnp
import numpy as np

NUM_EMBEDDINGS = 1000000
EMBEDDING_DIM = 32

def setup_inputs(seed: int = 0) -> dict:
    key = jax.random.key(seed)
    k_idx, k_w = jax.random.split(key)
    x = jax.random.randint(k_idx, (4096, 50), 0, NUM_EMBEDDINGS, dtype=jnp.int64 if jax.config.jax_enable_x64 else jnp.int32)
    # weight_init == 'normal': mean=0.0, std=0.1
    weight = jax.random.normal(k_w, (NUM_EMBEDDINGS, EMBEDDING_DIM), dtype=jnp.float32) * 0.1
    return {"x": x, "weight": weight}

def reference(x, weight):
    # nn.Embedding forward: row gather from the table
    return jnp.take(weight, x, axis=0)

if __name__ == "__main__":
    import jax
    _d = setup_inputs()
    print(jax.jit(kernel)(*tuple(_d.values())))

</pallas_src>

<mosaic_0001>
#map = affine_map<(d0, d1) -> (0, 0)>
#map1 = affine_map<(d0, d1) -> (0, 0, 0, 0, 0)>
module attributes {stable_mosaic.version = 14 : i64} {
  func.func @_gather_body(%arg0: i32, %arg1: i32, %arg2: memref<50x4096xi32, #tpu.memory_space<hbm>>, %arg3: memref<1000000x128xf32, #tpu.memory_space<hbm>>, %arg4: memref<50x4x32x8x128xf32, #tpu.memory_space<hbm>>, %arg5: memref<50x128xi32, #tpu.memory_space<vmem>>, %arg6: memref<2x128x128xf32, #tpu.memory_space<vmem>>, %arg7: memref<2x32x128xf32, #tpu.memory_space<vmem>>, %arg8: memref<!tpu.dma_semaphore, #tpu.memory_space<semaphore_mem>>, %arg9: memref<!tpu.dma_semaphore, #tpu.memory_space<semaphore_mem>>, %arg10: memref<!tpu.dma_semaphore, #tpu.memory_space<semaphore_mem>>, %arg11: memref<!tpu.dma_semaphore, #tpu.memory_space<semaphore_mem>>) attributes {dimension_semantics = [#tpu.dimension_semantics<core_parallel>, #tpu.dimension_semantics<subcore_parallel>], iteration_bounds = array<i64: 2, 16>, scalar_prefetch = 0 : i64, scratch_operands = 7 : i64, tpu.core_type = #tpu.core_type<sc_vector_subcore>, window_params = [{transform_indices = #map}, {transform_indices = #map}, {transform_indices = #map1}]} {
    %mul3A = arith.constant 2 : i32
    %mul3A_0 = arith.muli %arg1, %mul3A : i32
    %add3A = arith.addi %mul3A_0, %arg0 : i32
    %mul3A_1 = arith.constant 128 : i32
    %mul3A_2 = arith.muli %add3A, %mul3A_1 : i32
    "tpu.region"() ({
      %run_scoped3A = tpu.sem_alloc : memref<!tpu.dma_semaphore, #tpu.memory_space<semaphore_mem>>
      %dma_start3A_205 = arith.constant 0 : i32
      %dma_start3A_206 = tpu.memref_slice %arg2[%dma_start3A_205, %mul3A_2] : memref<50x4096xi32, #tpu.memory_space<hbm>> -> memref<50x128xi32, #tpu.memory_space<hbm>>
      %dma_start3A_207 = arith.constant 0 : i32
      %dma_start3A_208 = tpu.memref_slice %arg2[%dma_start3A_207, %mul3A_2] : memref<50x4096xi32, #tpu.memory_space<hbm>> -> memref<50x128xi32, #tpu.memory_space<hbm>>
      tpu.enqueue_dma source(%dma_start3A_208 : memref<50x128xi32, #tpu.memory_space<hbm>>) target(%arg5 : memref<50x128xi32, #tpu.memory_space<vmem>>) target_semaphore(%run_scoped3A : memref<!tpu.dma_semaphore, #tpu.memory_space<semaphore_mem>>)
      %dma_wait3A_209 = arith.constant 0 : i32
      %dma_wait3A_210 = tpu.memref_slice %arg2[%dma_wait3A_209, %mul3A_2] : memref<50x4096xi32, #tpu.memory_space<hbm>> -> memref<50x128xi32, #tpu.memory_space<hbm>>
      %dma_wait3A_211 = arith.constant 0 : i32
      %dma_wait3A_212 = tpu.memref_slice %arg2[%dma_wait3A_211, %mul3A_2] : memref<50x4096xi32, #tpu.memory_space<hbm>> -> memref<50x128xi32, #tpu.memory_space<hbm>>
      tpu.wait_dma2 semaphore(%run_scoped3A : memref<!tpu.dma_semaphore, #tpu.memory_space<semaphore_mem>>) src(%dma_wait3A_212 : memref<50x128xi32, #tpu.memory_space<hbm>>) dst(%arg5 : memref<50x128xi32, #tpu.memory_space<vmem>>)
      tpu.yield
    }) : () -> ()
    %iota3A = tpu.iota {dimensions = array<i32: 0>} : vector<16xi32>
    %add3A_3 = arith.constant 0 : i32
    %add3A_4 = vector.broadcast %add3A_3 : i32 to vector<16xi32>
    %add3A_5 = arith.addi %iota3A, %add3A_4 : vector<16xi32>
    %add3A_6 = arith.constant 16 : i32
    %add3A_7 = vector.broadcast %add3A_6 : i32 to vector<16xi32>
    %add3A_8 = arith.addi %iota3A, %add3A_7 : vector<16xi32>
    %add3A_9 = arith.constant 32 : i32
    %add3A_10 = vector.broadcast %add3A_9 : i32 to vector<16xi32>
    %add3A_11 = arith.addi %iota3A, %add3A_10 : vector<16xi32>
    %add3A_12 = arith.constant 48 : i32
    %add3A_13 = vector.broadcast %add3A_12 : i32 to vector<16xi32>
    %add3A_14 = arith.addi %iota3A, %add3A_13 : vector<16xi32>
    %add3A_15 = arith.constant 64 : i32
    %add3A_16 = vector.broadcast %add3A_15 : i32 to vector<16xi32>
    %add3A_17 = arith.addi %iota3A, %add3A_16 : vector<16xi32>
    %add3A_18 = arith.constant 80 : i32
    %add3A_19 = vector.broadcast %add3A_18 : i32 to vector<16xi32>
    %add3A_20 = arith.addi %iota3A, %add3A_19 : vector<16xi32>
    %add3A_21 = arith.constant 96 : i32
    %add3A_22 = vector.broadcast %add3A_21 : i32 to vector<16xi32>
    %add3A_23 = arith.addi %iota3A, %add3A_22 : vector<16xi32>
    %add3A_24 = arith.constant 112 : i32
    %add3A_25 = vector.broadcast %add3A_24 : i32 to vector<16xi32>
    %add3A_26 = arith.addi %iota3A, %add3A_25 : vector<16xi32>
    %dma_start3A = arith.constant 0 : i32
    %dma_start3A_27 = arith.constant 0 : i32
    %dma_start3A_28 = arith.constant 0 : i32
    %dma_start3A_29 = arith.constant 0 : i32
    %dma_start3A_30 = tpu.memref_slice %arg6[%dma_start3A_27, %dma_start3A_28, %dma_start3A_29] : memref<2x128x128xf32, #tpu.memory_space<vmem>> -> memref<1x128x128xf32, #tpu.memory_space<vmem>>
    %dma_start3A_31 = tpu.memref_squeeze %dma_start3A_30 : memref<1x128x128xf32, #tpu.memory_space<vmem>> -> memref<128x128xf32, #tpu.memory_space<vmem>>
    %dma_start3A_32 = arith.constant 0 : i32
    %dma_start3A_33 = tpu.memref_slice %arg5[%dma_start3A, %dma_start3A_32] : memref<50x128xi32, #tpu.memory_space<vmem>> -> memref<1x128xi32, #tpu.memory_space<vmem>>
    %dma_start3A_34 = tpu.memref_squeeze %dma_start3A_33 : memref<1x128xi32, #tpu.memory_space<vmem>> -> memref<128xi32, #tpu.memory_space<vmem>>
    %dma_start3A_35 = arith.constant 0 : i32
    %dma_start3A_36 = arith.constant 0 : i32
    %dma_start3A_37 = tpu.memref_slice %arg3[%dma_start3A_35, %dma_start3A_36] : memref<1000000x128xf32, #tpu.memory_space<hbm>> -> memref<1000000x128xf32, #tpu.memory_space<hbm>>
    tpu.enqueue_indirect_dma source(%dma_start3A_37 : memref<1000000x128xf32, #tpu.memory_space<hbm>>) target(%dma_start3A_31 : memref<128x128xf32, #tpu.memory_space<vmem>>) offsets(%dma_start3A_34 : memref<128xi32, #tpu.memory_space<vmem>>) semaphore(%arg8 : memref<!tpu.dma_semaphore, #tpu.memory_space<semaphore_mem>>)
    %dma_start3A_38 = arith.constant 1 : i32
    %dma_start3A_39 = arith.constant 1 : i32
    %dma_start3A_40 = arith.constant 0 : i32
    %dma_start3A_41 = arith.constant 0 : i32
    %dma_start3A_42 = tpu.memref_slice %arg6[%dma_start3A_39, %dma_start3A_40, %dma_start3A_41] : memref<2x128x128xf32, #tpu.memory_space<vmem>> -> memref<1x128x128xf32, #tpu.memory_space<vmem>>
    %dma_start3A_43 = tpu.memref_squeeze %dma_start3A_42 : memref<1x128x128xf32, #tpu.memory_space<vmem>> -> memref<128x128xf32, #tpu.memory_space<vmem>>
    %dma_start3A_44 = arith.constant 0 : i32
    %dma_start3A_45 = tpu.memref_slice %arg5[%dma_start3A_38, %dma_start3A_44] : memref<50x128xi32, #tpu.memory_space<vmem>> -> memref<1x128xi32, #tpu.memory_space<vmem>>
    %dma_start3A_46 = tpu.memref_squeeze %dma_start3A_45 : memref<1x128xi32, #tpu.memory_space<vmem>> -> memref<128xi32, #tpu.memory_space<vmem>>
    %dma_start3A_47 = arith.constant 0 : i32
    %dma_start3A_48 = arith.constant 0 : i32
    %dma_start3A_49 = tpu.memref_slice %arg3[%dma_start3A_47, %dma_start3A_48] : memref<1000000x128xf32, #tpu.memory_space<hbm>> -> memref<1000000x128xf32, #tpu.memory_space<hbm>>
    tpu.enqueue_indirect_dma source(%dma_start3A_49 : memref<1000000x128xf32, #tpu.memory_space<hbm>>) target(%dma_start3A_43 : memref<128x128xf32, #tpu.memory_space<vmem>>) offsets(%dma_start3A_46 : memref<128xi32, #tpu.memory_space<vmem>>) semaphore(%arg9 : memref<!tpu.dma_semaphore, #tpu.memory_space<semaphore_mem>>)
    %scan3A = arith.constant 0 : i32
    %scan3A_50 = arith.constant 25 : i32
    %scan3A_51 = arith.addi %scan3A, %scan3A_50 : i32
    %scan3A_52 = arith.constant 1 : i32
    scf.for %scan3A_205 = %scan3A to %scan3A_51 step %scan3A_52  : i32 {
      %mul3A_206 = arith.constant 2 : i32
      %mul3A_207 = arith.muli %mul3A_206, %scan3A_205 : i32
      %add3A_208 = arith.constant 0 : i32
      %add3A_209 = arith.addi %mul3A_207, %add3A_208 : i32
      %gt3A = arith.constant 0 : i32
      %gt3A_210 = arith.cmpi sgt, %scan3A_205, %gt3A : i32
      %convert_element_type3A = arith.extui %gt3A_210 : i1 to i32
      %cond3A = arith.constant 0 : i32
      %cond3A_211 = arith.cmpi ne, %convert_element_type3A, %cond3A : i32
      scf.if %cond3A_211 {
        %dma_wait3A_409 = arith.constant 0 : i32
        %dma_wait3A_410 = arith.constant 0 : i32
        %dma_wait3A_411 = arith.constant 0 : i32
        %dma_wait3A_412 = arith.constant 0 : i32
        %dma_wait3A_413 = arith.constant 0 : i32
        %dma_wait3A_414 = tpu.memref_slice %arg7[%dma_wait3A_409, %dma_wait3A_412, %dma_wait3A_413] : memref<2x32x128xf32, #tpu.memory_space<vmem>> -> memref<1x8x128xf32, #tpu.memory_space<vmem>>
        %dma_wait3A_415 = tpu.memref_squeeze %dma_wait3A_414 : memref<1x8x128xf32, #tpu.memory_space<vmem>> -> memref<8x128xf32, #tpu.memory_space<vmem>>
        %dma_wait3A_416 = arith.constant 0 : i32
        %dma_wait3A_417 = arith.constant 0 : i32
        %dma_wait3A_418 = tpu.memref_slice %arg4[%dma_wait3A_410, %dma_wait3A_411, %add3A, %dma_wait3A_416, %dma_wait3A_417] : memref<50x4x32x8x128xf32, #tpu.memory_space<hbm>> -> memref<1x1x1x8x128xf32, #tpu.memory_space<hbm>>
        %dma_wait3A_419 = tpu.memref_squeeze %dma_wait3A_418 : memref<1x1x1x8x128xf32, #tpu.memory_space<hbm>> -> memref<8x128xf32, #tpu.memory_space<hbm>>
        %dma_wait3A_420 = arith.constant 0 : i32
        %dma_wait3A_421 = arith.constant 0 : i32
        %dma_wait3A_422 = tpu.memref_slice %arg4[%dma_wait3A_410, %dma_wait3A_411, %add3A, %dma_wait3A_420, %dma_wait3A_421] : memref<50x4x32x8x128xf32, #tpu.memory_space<hbm>> -> memref<1x1x1x8x128xf32, #tpu.memory_space<hbm>>
        %dma_wait3A_423 = tpu.memref_squeeze %dma_wait3A_422 : memref<1x1x1x8x128xf32, #tpu.memory_space<hbm>> -> memref<8x128xf32, #tpu.memory_space<hbm>>
        %dma_wait3A_424 = arith.constant 0 : i32
        %dma_wait3A_425 = arith.constant 0 : i32
        %dma_wait3A_426 = tpu.memref_slice %arg7[%dma_wait3A_409, %dma_wait3A_424, %dma_wait3A_425] : memref<2x32x128xf32, #tpu.memory_space<vmem>> -> memref<1x8x128xf32, #tpu.memory_space<vmem>>
        %dma_wait3A_427 = tpu.memref_squeeze %dma_wait3A_426 : memref<1x8x128xf32, #tpu.memory_space<vmem>> -> memref<8x128xf32, #tpu.memory_space<vmem>>
        tpu.wait_dma2 semaphore(%arg10 : memref<!tpu.dma_semaphore, #tpu.memory_space<semaphore_mem>>) src(%dma_wait3A_427 : memref<8x128xf32, #tpu.memory_space<vmem>>) dst(%dma_wait3A_423 : memref<8x128xf32, #tpu.memory_space<hbm>>)
        %dma_wait3A_428 = arith.constant 0 : i32
        %dma_wait3A_429 = arith.constant 0 : i32
        %dma_wait3A_430 = arith.constant 1 : i32
        %dma_wait3A_431 = arith.constant 8 : i32
        %dma_wait3A_432 = arith.constant 0 : i32
        %dma_wait3A_433 = tpu.memref_slice %arg7[%dma_wait3A_428, %dma_wait3A_431, %dma_wait3A_432] : memref<2x32x128xf32, #tpu.memory_space<vmem>> -> memref<1x8x128xf32, #tpu.memory_space<vmem>>
        %dma_wait3A_434 = tpu.memref_squeeze %dma_wait3A_433 : memref<1x8x128xf32, #tpu.memory_space<vmem>> -> memref<8x128xf32, #tpu.memory_space<vmem>>
        %dma_wait3A_435 = arith.constant 0 : i32
        %dma_wait3A_436 = arith.constant 0 : i32
        %dma_wait3A_437 = tpu.memref_slice %arg4[%dma_wait3A_429, %dma_wait3A_430, %add3A, %dma_wait3A_435, %dma_wait3A_436] : memref<50x4x32x8x128xf32, #tpu.memory_space<hbm>> -> memref<1x1x1x8x128xf32, #tpu.memory_space<hbm>>
        %dma_wait3A_438 = tpu.memref_squeeze %dma_wait3A_437 : memref<1x1x1x8x128xf32, #tpu.memory_space<hbm>> -> memref<8x128xf32, #tpu.memory_space<hbm>>
        %dma_wait3A_439 = arith.constant 0 : i32
        %dma_wait3A_440 = arith.constant 0 : i32
        %dma_wait3A_441 = tpu.memref_slice %arg4[%dma_wait3A_429, %dma_wait3A_430, %add3A, %dma_wait3A_439, %dma_wait3A_440] : memref<50x4x32x8x128xf32, #tpu.memory_space<hbm>> -> memref<1x1x1x8x128xf32, #tpu.memory_space<hbm>>
        %dma_wait3A_442 = tpu.memref_squeeze %dma_wait3A_441 : memref<1x1x1x8x128xf32, #tpu.memory_space<hbm>> -> memref<8x128xf32, #tpu.memory_space<hbm>>
        %dma_wait3A_443 = arith.constant 8 : i32
        %dma_wait3A_444 = arith.constant 0 : i32
        %dma_wait3A_445 = tpu.memref_slice %arg7[%dma_wait3A_428, %dma_wait3A_443, %dma_wait3A_444] : memref<2x32x128xf32, #tpu.memory_space<vmem>> -> memref<1x8x128xf32, #tpu.memory_space<vmem>>
        %dma_wait3A_446 = tpu.memref_squeeze %dma_wait3A_445 : memref<1x8x128xf32, #tpu.memory_space<vmem>> -> memref<8x128xf32, #tpu.memory_space<vmem>>
        tpu.wait_dma2 semaphore(%arg10 : memref<!tpu.dma_semaphore, #tpu.memory_space<semaphore_mem>>) src(%dma_wait3A_446 : memref<8x128xf32, #tpu.memory_space<vmem>>) dst(%dma_wait3A_442 : memref<8x128xf32, #tpu.memory_space<hbm>>)
        %dma_wait3A_447 = arith.constant 0 : i32
        %dma_wait3A_448 = arith.constant 0 : i32
        %dma_wait3A_449 = arith.constant 2 : i32
        %dma_wait3A_450 = arith.constant 16 : i32
        %dma_wait3A_451 = arith.constant 0 : i32
        %dma_wait3A_452 = tpu.memref_slice %arg7[%dma_wait3A_447, %dma_wait3A_450, %dma_wait3A_451] : memref<2x32x128xf32, #tpu.memory_space<vmem>> -> memref<1x8x128xf32, #tpu.memory_space<vmem>>
        %dma_wait3A_453 = tpu.memref_squeeze %dma_wait3A_452 : memref<1x8x128xf32, #tpu.memory_space<vmem>> -> memref<8x128xf32, #tpu.memory_space<vmem>>
        %dma_wait3A_454 = arith.constant 0 : i32
        %dma_wait3A_455 = arith.constant 0 : i32
        %dma_wait3A_456 = tpu.memref_slice %arg4[%dma_wait3A_448, %dma_wait3A_449, %add3A, %dma_wait3A_454, %dma_wait3A_455] : memref<50x4x32x8x128xf32, #tpu.memory_space<hbm>> -> memref<1x1x1x8x128xf32, #tpu.memory_space<hbm>>
        %dma_wait3A_457 = tpu.memref_squeeze %dma_wait3A_456 : memref<1x1x1x8x128xf32, #tpu.memory_space<hbm>> -> memref<8x128xf32, #tpu.memory_space<hbm>>
        %dma_wait3A_458 = arith.constant 0 : i32
        %dma_wait3A_459 = arith.constant 0 : i32
        %dma_wait3A_460 = tpu.memref_slice %arg4[%dma_wait3A_448, %dma_wait3A_449, %add3A, %dma_wait3A_458, %dma_wait3A_459] : memref<50x4x32x8x128xf32, #tpu.memory_space<hbm>> -> memref<1x1x1x8x128xf32, #tpu.memory_space<hbm>>
        %dma_wait3A_461 = tpu.memref_squeeze %dma_wait3A_460 : memref<1x1x1x8x128xf32, #tpu.memory_space<hbm>> -> memref<8x128xf32, #tpu.memory_space<hbm>>
        %dma_wait3A_462 = arith.constant 16 : i32
        %dma_wait3A_463 = arith.constant 0 : i32
        %dma_wait3A_464 = tpu.memref_slice %arg7[%dma_wait3A_447, %dma_wait3A_462, %dma_wait3A_463] : memref<2x32x128xf32, #tpu.memory_space<vmem>> -> memref<1x8x128xf32, #tpu.memory_space<vmem>>
        %dma_wait3A_465 = tpu.memref_squeeze %dma_wait3A_464 : memref<1x8x128xf32, #tpu.memory_space<vmem>> -> memref<8x128xf32, #tpu.memory_space<vmem>>
        tpu.wait_dma2 semaphore(%arg10 : memref<!tpu.dma_semaphore, #tpu.memory_space<semaphore_mem>>) src(%dma_wait3A_465 : memref<8x128xf32, #tpu.memory_space<vmem>>) dst(%dma_wait3A_461 : memref<8x128xf32, #tpu.memory_space<hbm>>)
        %dma_wait3A_466 = arith.constant 0 : i32
        %dma_wait3A_467 = arith.constant 0 : i32
        %dma_wait3A_468 = arith.constant 3 : i32
        %dma_wait3A_469 = arith.constant 24 : i32
        %dma_wait3A_470 = arith.constant 0 : i32
        %dma_wait3A_471 = tpu.memref_slice %arg7[%dma_wait3A_466, %dma_wait3A_469, %dma_wait3A_470] : memref<2x32x128xf32, #tpu.memory_space<vmem>> -> memref<1x8x128xf32, #tpu.memory_space<vmem>>
        %dma_wait3A_472 = tpu.memref_squeeze %dma_wait3A_471 : memref<1x8x128xf32, #tpu.memory_space<vmem>> -> memref<8x128xf32, #tpu.memory_space<vmem>>
        %dma_wait3A_473 = arith.constant 0 : i32
        %dma_wait3A_474 = arith.constant 0 : i32
        %dma_wait3A_475 = tpu.memref_slice %arg4[%dma_wait3A_467, %dma_wait3A_468, %add3A, %dma_wait3A_473, %dma_wait3A_474] : memref<50x4x32x8x128xf32, #tpu.memory_space<hbm>> -> memref<1x1x1x8x128xf32, #tpu.memory_space<hbm>>
        %dma_wait3A_476 = tpu.memref_squeeze %dma_wait3A_475 : memref<1x1x1x8x128xf32, #tpu.memory_space<hbm>> -> memref<8x128xf32, #tpu.memory_space<hbm>>
        %dma_wait3A_477 = arith.constant 0 : i32
        %dma_wait3A_478 = arith.constant 0 : i32
        %dma_wait3A_479 = tpu.memref_slice %arg4[%dma_wait3A_467, %dma_wait3A_468, %add3A, %dma_wait3A_477, %dma_wait3A_478] : memref<50x4x32x8x128xf32, #tpu.memory_space<hbm>> -> memref<1x1x1x8x128xf32, #tpu.memory_space<hbm>>
        %dma_wait3A_480 = tpu.memref_squeeze %dma_wait3A_479 : memref<1x1x1x8x128xf32, #tpu.memory_space<hbm>> -> memref<8x128xf32, #tpu.memory_space<hbm>>
        %dma_wait3A_481 = arith.constant 24 : i32
        %dma_wait3A_482 = arith.constant 0 : i32
        %dma_wait3A_483 = tpu.memref_slice %arg7[%dma_wait3A_466, %dma_wait3A_481, %dma_wait3A_482] : memref<2x32x128xf32, #tpu.memory_space<vmem>> -> memref<1x8x128xf32, #tpu.memory_space<vmem>>
        %dma_wait3A_484 = tpu.memref_squeeze %dma_wait3A_483 : memref<1x8x128xf32, #tpu.memory_space<vmem>> -> memref<8x128xf32, #tpu.memory_space<vmem>>
        tpu.wait_dma2 semaphore(%arg10 : memref<!tpu.dma_semaphore, #tpu.memory_space<semaphore_mem>>) src(%dma_wait3A_484 : memref<8x128xf32, #tpu.memory_space<vmem>>) dst(%dma_wait3A_480 : memref<8x128xf32, #tpu.memory_space<hbm>>)
      } else {
      }
      %dma_wait3A_212 = arith.constant 0 : i32
      %dma_wait3A_213 = arith.constant 0 : i32
      %dma_wait3A_214 = arith.constant 0 : i32
      %dma_wait3A_215 = tpu.memref_slice %arg6[%dma_wait3A_212, %dma_wait3A_213, %dma_wait3A_214] : memref<2x128x128xf32, #tpu.memory_space<vmem>> -> memref<1x128x128xf32, #tpu.memory_space<vmem>>
      %dma_wait3A_216 = tpu.memref_squeeze %dma_wait3A_215 : memref<1x128x128xf32, #tpu.memory_space<vmem>> -> memref<128x128xf32, #tpu.memory_space<vmem>>
      %dma_wait3A_217 = arith.constant 0 : i32
      %dma_wait3A_218 = tpu.memref_slice %arg5[%add3A_209, %dma_wait3A_217] : memref<50x128xi32, #tpu.memory_space<vmem>> -> memref<1x128xi32, #tpu.memory_space<vmem>>
      %dma_wait3A_219 = tpu.memref_squeeze %dma_wait3A_218 : memref<1x128xi32, #tpu.memory_space<vmem>> -> memref<128xi32, #tpu.memory_space<vmem>>
      %dma_wait3A_220 = arith.constant 0 : i32
      %dma_wait3A_221 = arith.constant 0 : i32
      %dma_wait3A_222 = tpu.memref_slice %arg3[%dma_wait3A_220, %dma_wait3A_221] : memref<1000000x128xf32, #tpu.memory_space<hbm>> -> memref<1000000x128xf32, #tpu.memory_space<hbm>>
      tpu.wait_indirect_dma semaphore(%arg8 : memref<!tpu.dma_semaphore, #tpu.memory_space<semaphore_mem>>) src(%dma_wait3A_222 : memref<1000000x128xf32, #tpu.memory_space<hbm>>) dst(%dma_wait3A_216 : memref<128x128xf32, #tpu.memory_space<vmem>>)
      %parallel_loop3A = arith.constant 0 : i32
      %parallel_loop3A_223 = arith.constant 32 : i32
      %parallel_loop3A_224 = arith.constant 1 : i32
      %parallel_loop3A_225 = arith.constant 0 : i32
      %parallel_loop3A_226 = arith.constant 0 : i32
      scf.for %parallel_loop3A_409 = %parallel_loop3A to %parallel_loop3A_223 step %parallel_loop3A_224  : i32 {
        %parallel_loop3A_410 = arith.constant 0 : i32
        %parallel_loop3A_411 = vector.broadcast %parallel_loop3A_410 : i32 to vector<16xi32>
        %parallel_loop3A_412 = vector.broadcast %parallel_loop3A_409 : i32 to vector<16xi32>
        %parallel_loop3A_413 = arith.addi %parallel_loop3A_411, %parallel_loop3A_412 : vector<16xi32>
        %parallel_loop3A_414 = arith.constant 0 : i32
        %parallel_loop3A_415 = arith.constant 0 : i32
        %parallel_loop3A_416 = tpu.memref_slice %arg6[%parallel_loop3A_225, %parallel_loop3A_414, %parallel_loop3A_415] : memref<2x128x128xf32, #tpu.memory_space<vmem>> -> memref<1x128x128xf32, #tpu.memory_space<vmem>>
        %parallel_loop3A_417 = tpu.memref_squeeze %parallel_loop3A_416 : memref<1x128x128xf32, #tpu.memory_space<vmem>> -> memref<128x128xf32, #tpu.memory_space<vmem>>
        %parallel_loop3A_418 = tpu.vector_load_idx %parallel_loop3A_417[%add3A_5, %parallel_loop3A_413] : memref<128x128xf32, #tpu.memory_space<vmem>>[vector<16xi32>, vector<16xi32>], vector<16xf32>,
        %parallel_loop3A_419 = arith.constant 0 : i32
        %parallel_loop3A_420 = arith.constant 0 : i32
        %parallel_loop3A_421 = tpu.memref_slice %arg7[%parallel_loop3A_226, %parallel_loop3A_419, %parallel_loop3A_420] : memref<2x32x128xf32, #tpu.memory_space<vmem>> -> memref<1x32x128xf32, #tpu.memory_space<vmem>>
        %parallel_loop3A_422 = tpu.memref_squeeze %parallel_loop3A_421 : memref<1x32x128xf32, #tpu.memory_space<vmem>> -> memref<32x128xf32, #tpu.memory_space<vmem>>
        %parallel_loop3A_423 = arith.index_cast %parallel_loop3A_409 : i32 to index
        %parallel_loop3A_424 = arith.constant 0 : index
        %parallel_loop3A_425 = tpu.vector_load %parallel_loop3A_422[%parallel_loop3A_423, %parallel_loop3A_424] {strides = array<i32>} : memref<32x128xf32, #tpu.memory_space<vmem>>, vector<16xf32>,
        tpu.vector_store %parallel_loop3A_422[%parallel_loop3A_423, %parallel_loop3A_424], %parallel_loop3A_418 {strides = array<i32>} : memref<32x128xf32, #tpu.memory_space<vmem>>, vector<16xf32>,
        %parallel_loop3A_426 = arith.constant 0 : i32
        %parallel_loop3A_427 = arith.constant 0 : i32
        %parallel_loop3A_428 = tpu.memref_slice %arg6[%parallel_loop3A_225, %parallel_loop3A_426, %parallel_loop3A_427] : memref<2x128x128xf32, #tpu.memory_space<vmem>> -> memref<1x128x128xf32, #tpu.memory_space<vmem>>
        %parallel_loop3A_429 = tpu.memref_squeeze %parallel_loop3A_428 : memref<1x128x128xf32, #tpu.memory_space<vmem>> -> memref<128x128xf32, #tpu.memory_space<vmem>>
        %parallel_loop3A_430 = tpu.vector_load_idx %parallel_loop3A_429[%add3A_8, %parallel_loop3A_413] : memref<128x128xf32, #tpu.memory_space<vmem>>[vector<16xi32>, vector<16xi32>], vector<16xf32>,
        %parallel_loop3A_431 = arith.constant 0 : i32
        %parallel_loop3A_432 = arith.constant 0 : i32
        %parallel_loop3A_433 = tpu.memref_slice %arg7[%parallel_loop3A_226, %parallel_loop3A_431, %parallel_loop3A_432] : memref<2x32x128xf32, #tpu.memory_space<vmem>> -> memref<1x32x128xf32, #tpu.memory_space<vmem>>
        %parallel_loop3A_434 = tpu.memref_squeeze %parallel_loop3A_433 : memref<1x32x128xf32, #tpu.memory_space<vmem>> -> memref<32x128xf32, #tpu.memory_space<vmem>>
        %parallel_loop3A_435 = arith.index_cast %parallel_loop3A_409 : i32 to index
        %parallel_loop3A_436 = arith.constant 16 : index
        %parallel_loop3A_437 = tpu.vector_load %parallel_loop3A_434[%parallel_loop3A_435, %parallel_loop3A_436] {strides = array<i32>} : memref<32x128xf32, #tpu.memory_space<vmem>>, vector<16xf32>,
        tpu.vector_store %parallel_loop3A_434[%parallel_loop3A_435, %parallel_loop3A_436], %parallel_loop3A_430 {strides = array<i32>} : memref<32x128xf32, #tpu.memory_space<vmem>>, vector<16xf32>,
        %parallel_loop3A_438 = arith.constant 0 : i32
        %parallel_loop3A_439 = arith.constant 0 : i32
        %parallel_loop3A_440 = tpu.memref_slice %arg6[%parallel_loop3A_225, %parallel_loop3A_438, %parallel_loop3A_439] : memref<2x128x128xf32, #tpu.memory_space<vmem>> -> memref<1x128x128xf32, #tpu.memory_space<vmem>>
        %parallel_loop3A_441 = tpu.memref_squeeze %parallel_loop3A_440 : memref<1x128x128xf32, #tpu.memory_space<vmem>> -> memref<128x128xf32, #tpu.memory_space<vmem>>
        %parallel_loop3A_442 = tpu.vector_load_idx %parallel_loop3A_441[%add3A_11, %parallel_loop3A_413] : memref<128x128xf32, #tpu.memory_space<vmem>>[vector<16xi32>, vector<16xi32>], vector<16xf32>,
        %parallel_loop3A_443 = arith.constant 0 : i32
        %parallel_loop3A_444 = arith.constant 0 : i32
        %parallel_loop3A_445 = tpu.memref_slice %arg7[%parallel_loop3A_226, %parallel_loop3A_443, %parallel_loop3A_444] : memref<2x32x128xf32, #tpu.memory_space<vmem>> -> memref<1x32x128xf32, #tpu.memory_space<vmem>>
        %parallel_loop3A_446 = tpu.memref_squeeze %parallel_loop3A_445 : memref<1x32x128xf32, #tpu.memory_space<vmem>> -> memref<32x128xf32, #tpu.memory_space<vmem>>
        %parallel_loop3A_447 = arith.index_cast %parallel_loop3A_409 : i32 to index
        %parallel_loop3A_448 = arith.constant 32 : index
        %parallel_loop3A_449 = tpu.vector_load %parallel_loop3A_446[%parallel_loop3A_447, %parallel_loop3A_448] {strides = array<i32>} : memref<32x128xf32, #tpu.memory_space<vmem>>, vector<16xf32>,
        tpu.vector_store %parallel_loop3A_446[%parallel_loop3A_447, %parallel_loop3A_448], %parallel_loop3A_442 {strides = array<i32>} : memref<32x128xf32, #tpu.memory_space<vmem>>, vector<16xf32>,
        %parallel_loop3A_450 = arith.constant 0 : i32
        %parallel_loop3A_451 = arith.constant 0 : i32
        %parallel_loop3A_452 = tpu.memref_slice %arg6[%parallel_loop3A_225, %parallel_loop3A_450, %parallel_loop3A_451] : memref<2x128x128xf32, #tpu.memory_space<vmem>> -> memref<1x128x128xf32, #tpu.memory_space<vmem>>
        %parallel_loop3A_453 = tpu.memref_squeeze %parallel_loop3A_452 : memref<1x128x128xf32, #tpu.memory_space<vmem>> -> memref<128x128xf32, #tpu.memory_space<vmem>>
        %parallel_loop3A_454 = tpu.vector_load_idx %parallel_loop3A_453[%add3A_14, %parallel_loop3A_413] : memref<128x128xf32, #tpu.memory_space<vmem>>[vector<16xi32>, vector<16xi32>], vector<16xf32>,
        %parallel_loop3A_455 = arith.constant 0 : i32
        %parallel_loop3A_456 = arith.constant 0 : i32
        %parallel_loop3A_457 = tpu.memref_slice %arg7[%parallel_loop3A_226, %parallel_loop3A_455, %parallel_loop3A_456] : memref<2x32x128xf32, #tpu.memory_space<vmem>> -> memref<1x32x128xf32, #tpu.memory_space<vmem>>
        %parallel_loop3A_458 = tpu.memref_squeeze %parallel_loop3A_457 : memref<1x32x128xf32, #tpu.memory_space<vmem>> -> memref<32x128xf32, #tpu.memory_space<vmem>>
        %parallel_loop3A_459 = arith.index_cast %parallel_loop3A_409 : i32 to index
        %parallel_loop3A_460 = arith.constant 48 : index
        %parallel_loop3A_461 = tpu.vector_load %parallel_loop3A_458[%parallel_loop3A_459, %parallel_loop3A_460] {strides = array<i32>} : memref<32x128xf32, #tpu.memory_space<vmem>>, vector<16xf32>,
        tpu.vector_store %parallel_loop3A_458[%parallel_loop3A_459, %parallel_loop3A_460], %parallel_loop3A_454 {strides = array<i32>} : memref<32x128xf32, #tpu.memory_space<vmem>>, vector<16xf32>,
        %parallel_loop3A_462 = arith.constant 0 : i32
        %parallel_loop3A_463 = arith.constant 0 : i32
        %parallel_loop3A_464 = tpu.memref_slice %arg6[%parallel_loop3A_225, %parallel_loop3A_462, %parallel_loop3A_463] : memref<2x128x128xf32, #tpu.memory_space<vmem>> -> memref<1x128x128xf32, #tpu.memory_space<vmem>>
        %parallel_loop3A_465 = tpu.memref_squeeze %parallel_loop3A_464 : memref<1x128x128xf32, #tpu.memory_space<vmem>> -> memref<128x128xf32, #tpu.memory_space<vmem>>
        %parallel_loop3A_466 = tpu.vector_load_idx %parallel_loop3A_465[%add3A_17, %parallel_loop3A_413] : memref<128x128xf32, #tpu.memory_space<vmem>>[vector<16xi32>, vector<16xi32>], vector<16xf32>,
        %parallel_loop3A_467 = arith.constant 0 : i32
        %parallel_loop3A_468 = arith.constant 0 : i32
        %parallel_loop3A_469 = tpu.memref_slice %arg7[%parallel_loop3A_226, %parallel_loop3A_467, %parallel_loop3A_468] : memref<2x32x128xf32, #tpu.memory_space<vmem>> -> memref<1x32x128xf32, #tpu.memory_space<vmem>>
        %parallel_loop3A_470 = tpu.memref_squeeze %parallel_loop3A_469 : memref<1x32x128xf32, #tpu.memory_space<vmem>> -> memref<32x128xf32, #tpu.memory_space<vmem>>
        %parallel_loop3A_471 = arith.index_cast %parallel_loop3A_409 : i32 to index
        %parallel_loop3A_472 = arith.constant 64 : index
        %parallel_loop3A_473 = tpu.vector_load %parallel_loop3A_470[%parallel_loop3A_471, %parallel_loop3A_472] {strides = array<i32>} : memref<32x128xf32, #tpu.memory_space<vmem>>, vector<16xf32>,
        tpu.vector_store %parallel_loop3A_470[%parallel_loop3A_471, %parallel_loop3A_472], %parallel_loop3A_466 {strides = array<i32>} : memref<32x128xf32, #tpu.memory_space<vmem>>, vector<16xf32>,
        %parallel_loop3A_474 = arith.constant 0 : i32
        %parallel_loop3A_475 = arith.constant 0 : i32
        %parallel_loop3A_476 = tpu.memref_slice %arg6[%parallel_loop3A_225, %parallel_loop3A_474, %parallel_loop3A_475] : memref<2x128x128xf32, #tpu.memory_space<vmem>> -> memref<1x128x128xf32, #tpu.memory_space<vmem>>
        %parallel_loop3A_477 = tpu.memref_squeeze %parallel_loop3A_476 : memref<1x128x128xf32, #tpu.memory_space<vmem>> -> memref<128x128xf32, #tpu.memory_space<vmem>>
        %parallel_loop3A_478 = tpu.vector_load_idx %parallel_loop3A_477[%add3A_20, %parallel_loop3A_413] : memref<128x128xf32, #tpu.memory_space<vmem>>[vector<16xi32>, vector<16xi32>], vector<16xf32>,
        %parallel_loop3A_479 = arith.constant 0 : i32
        %parallel_loop3A_480 = arith.constant 0 : i32
        %parallel_loop3A_481 = tpu.memref_slice %arg7[%parallel_loop3A_226, %parallel_loop3A_479, %parallel_loop3A_480] : memref<2x32x128xf32, #tpu.memory_space<vmem>> -> memref<1x32x128xf32, #tpu.memory_space<vmem>>
        %parallel_loop3A_482 = tpu.memref_squeeze %parallel_loop3A_481 : memref<1x32x128xf32, #tpu.memory_space<vmem>> -> memref<32x128xf32, #tpu.memory_space<vmem>>
        %parallel_loop3A_483 = arith.index_cast %parallel_loop3A_409 : i32 to index
        %parallel_loop3A_484 = arith.constant 80 : index
        %parallel_loop3A_485 = tpu.vector_load %parallel_loop3A_482[%parallel_loop3A_483, %parallel_loop3A_484] {strides = array<i32>} : memref<32x128xf32, #tpu.memory_space<vmem>>, vector<16xf32>,
        tpu.vector_store %parallel_loop3A_482[%parallel_loop3A_483, %parallel_loop3A_484], %parallel_loop3A_478 {strides = array<i32>} : memref<32x128xf32, #tpu.memory_space<vmem>>, vector<16xf32>,
        %parallel_loop3A_486 = arith.constant 0 : i32
        %parallel_loop3A_487 = arith.constant 0 : i32
        %parallel_loop3A_488 = tpu.memref_slice %arg6[%parallel_loop3A_225, %parallel_loop3A_486, %parallel_loop3A_487] : memref<2x128x128xf32, #tpu.memory_space<vmem>> -> memref<1x128x128xf32, #tpu.memory_space<vmem>>
        %parallel_loop3A_489 = tpu.memref_squeeze %parallel_loop3A_488 : memref<1x128x128xf32, #tpu.memory_space<vmem>> -> memref<128x128xf32, #tpu.memory_space<vmem>>
        %parallel_loop3A_490 = tpu.vector_load_idx %parallel_loop3A_489[%add3A_23, %parallel_loop3A_413] : memref<128x128xf32, #tpu.memory_space<vmem>>[vector<16xi32>, vector<16xi32>], vector<16xf32>,
        %parallel_loop3A_491 = arith.constant 0 : i32
        %parallel_loop3A_492 = arith.constant 0 : i32
        %parallel_loop3A_493 = tpu.memref_slice %arg7[%parallel_loop3A_226, %parallel_loop3A_491, %parallel_loop3A_492] : memref<2x32x128xf32, #tpu.memory_space<vmem>> -> memref<1x32x128xf32, #tpu.memory_space<vmem>>
        %parallel_loop3A_494 = tpu.memref_squeeze %parallel_loop3A_493 : memref<1x32x128xf32, #tpu.memory_space<vmem>> -> memref<32x128xf32, #tpu.memory_space<vmem>>
        %parallel_loop3A_495 = arith.index_cast %parallel_loop3A_409 : i32 to index
        %parallel_loop3A_496 = arith.constant 96 : index
        %parallel_loop3A_497 = tpu.vector_load %parallel_loop3A_494[%parallel_loop3A_495, %parallel_loop3A_496] {strides = array<i32>} : memref<32x128xf32, #tpu.memory_space<vmem>>, vector<16xf32>,
        tpu.vector_store %parallel_loop3A_494[%parallel_loop3A_495, %parallel_loop3A_496], %parallel_loop3A_490 {strides = array<i32>} : memref<32x128xf32, #tpu.memory_space<vmem>>, vector<16xf32>,
        %parallel_loop3A_498 = arith.constant 0 : i32
        %parallel_loop3A_499 = arith.constant 0 : i32
        %parallel_loop3A_500 = tpu.memref_slice %arg6[%parallel_loop3A_225, %parallel_loop3A_498, %parallel_loop3A_499] : memref<2x128x128xf32, #tpu.memory_space<vmem>> -> memref<1x128x128xf32, #tpu.memory_space<vmem>>
        %parallel_loop3A_501 = tpu.memref_squeeze %parallel_loop3A_500 : memref<1x128x128xf32, #tpu.memory_space<vmem>> -> memref<128x128xf32, #tpu.memory_space<vmem>>
        %parallel_loop3A_502 = tpu.vector_load_idx %parallel_loop3A_501[%add3A_26, %parallel_loop3A_413] : memref<128x128xf32, #tpu.memory_space<vmem>>[vector<16xi32>, vector<16xi32>], vector<16xf32>,
        %parallel_loop3A_503 = arith.constant 0 : i32
        %parallel_loop3A_504 = arith.constant 0 : i32
        %parallel_loop3A_505 = tpu.memref_slice %arg7[%parallel_loop3A_226, %parallel_loop3A_503, %parallel_loop3A_504] : memref<2x32x128xf32, #tpu.memory_space<vmem>> -> memref<1x32x128xf32, #tpu.memory_space<vmem>>
        %parallel_loop3A_506 = tpu.memref_squeeze %parallel_loop3A_505 : memref<1x32x128xf32, #tpu.memory_space<vmem>> -> memref<32x128xf32, #tpu.memory_space<vmem>>
        %parallel_loop3A_507 = arith.index_cast %parallel_loop3A_409 : i32 to index
        %parallel_loop3A_508 = arith.constant 112 : index
        %parallel_loop3A_509 = tpu.vector_load %parallel_loop3A_506[%parallel_loop3A_507, %parallel_loop3A_508] {strides = array<i32>} : memref<32x128xf32, #tpu.memory_space<vmem>>, vector<16xf32>,
        tpu.vector_store %parallel_loop3A_506[%parallel_loop3A_507, %parallel_loop3A_508], %parallel_loop3A_502 {strides = array<i32>} : memref<32x128xf32, #tpu.memory_space<vmem>>, vector<16xf32>,
      } {sc.loop_unroll_factor = 4 : i64, sc.parallel_access}
      %dma_start3A_227 = arith.constant 0 : i32
      %dma_start3A_228 = arith.constant 0 : i32
      %dma_start3A_229 = arith.constant 0 : i32
      %dma_start3A_230 = arith.constant 0 : i32
      %dma_start3A_231 = tpu.memref_slice %arg7[%dma_start3A_227, %dma_start3A_229, %dma_start3A_230] : memref<2x32x128xf32, #tpu.memory_space<vmem>> -> memref<1x8x128xf32, #tpu.memory_space<vmem>>
      %dma_start3A_232 = tpu.memref_squeeze %dma_start3A_231 : memref<1x8x128xf32, #tpu.memory_space<vmem>> -> memref<8x128xf32, #tpu.memory_space<vmem>>
      %dma_start3A_233 = arith.constant 0 : i32
      %dma_start3A_234 = arith.constant 0 : i32
      %dma_start3A_235 = tpu.memref_slice %arg4[%add3A_209, %dma_start3A_228, %add3A, %dma_start3A_233, %dma_start3A_234] : memref<50x4x32x8x128xf32, #tpu.memory_space<hbm>> -> memref<1x1x1x8x128xf32, #tpu.memory_space<hbm>>
      %dma_start3A_236 = tpu.memref_squeeze %dma_start3A_235 : memref<1x1x1x8x128xf32, #tpu.memory_space<hbm>> -> memref<8x128xf32, #tpu.memory_space<hbm>>
      %dma_start3A_237 = arith.constant 0 : i32
      %dma_start3A_238 = arith.constant 0 : i32
      %dma_start3A_239 = tpu.memref_slice %arg4[%add3A_209, %dma_start3A_228, %add3A, %dma_start3A_237, %dma_start3A_238] : memref<50x4x32x8x128xf32, #tpu.memory_space<hbm>> -> memref<1x1x1x8x128xf32, #tpu.memory_space<hbm>>
      %dma_start3A_240 = tpu.memref_squeeze %dma_start3A_239 : memref<1x1x1x8x128xf32, #tpu.memory_space<hbm>> -> memref<8x128xf32, #tpu.memory_space<hbm>>
      %dma_start3A_241 = arith.constant 0 : i32
      %dma_start3A_242 = arith.constant 0 : i32
      %dma_start3A_243 = tpu.memref_slice %arg7[%dma_start3A_227, %dma_start3A_241, %dma_start3A_242] : memref<2x32x128xf32, #tpu.memory_space<vmem>> -> memref<1x8x128xf32, #tpu.memory_space<vmem>>
      %dma_start3A_244 = tpu.memref_squeeze %dma_start3A_243 : memref<1x8x128xf32, #tpu.memory_space<vmem>> -> memref<8x128xf32, #tpu.memory_space<vmem>>
      tpu.enqueue_dma source(%dma_start3A_244 : memref<8x128xf32, #tpu.memory_space<vmem>>) target(%dma_start3A_240 : memref<8x128xf32, #tpu.memory_space<hbm>>) target_semaphore(%arg10 : memref<!tpu.dma_semaphore, #tpu.memory_space<semaphore_mem>>)
      %dma_start3A_245 = arith.constant 0 : i32
      %dma_start3A_246 = arith.constant 1 : i32
      %dma_start3A_247 = arith.constant 8 : i32
      %dma_start3A_248 = arith.constant 0 : i32
      %dma_start3A_249 = tpu.memref_slice %arg7[%dma_start3A_245, %dma_start3A_247, %dma_start3A_248] : memref<2x32x128xf32, #tpu.memory_space<vmem>> -> memref<1x8x128xf32, #tpu.memory_space<vmem>>
      %dma_start3A_250 = tpu.memref_squeeze %dma_start3A_249 : memref<1x8x128xf32, #tpu.memory_space<vmem>> -> memref<8x128xf32, #tpu.memory_space<vmem>>
      %dma_start3A_251 = arith.constant 0 : i32
      %dma_start3A_252 = arith.constant 0 : i32
      %dma_start3A_253 = tpu.memref_slice %arg4[%add3A_209, %dma_start3A_246, %add3A, %dma_start3A_251, %dma_start3A_252] : memref<50x4x32x8x128xf32, #tpu.memory_space<hbm>> -> memref<1x1x1x8x128xf32, #tpu.memory_space<hbm>>
      %dma_start3A_254 = tpu.memref_squeeze %dma_start3A_253 : memref<1x1x1x8x128xf32, #tpu.memory_space<hbm>> -> memref<8x128xf32, #tpu.memory_space<hbm>>
      %dma_start3A_255 = arith.constant 0 : i32
      %dma_start3A_256 = arith.constant 0 : i32
      %dma_start3A_257 = tpu.memref_slice %arg4[%add3A_209, %dma_start3A_246, %add3A, %dma_start3A_255, %dma_start3A_256] : memref<50x4x32x8x128xf32, #tpu.memory_space<hbm>> -> memref<1x1x1x8x128xf32, #tpu.memory_space<hbm>>
      %dma_start3A_258 = tpu.memref_squeeze %dma_start3A_257 : memref<1x1x1x8x128xf32, #tpu.memory_space<hbm>> -> memref<8x128xf32, #tpu.memory_space<hbm>>
      %dma_start3A_259 = arith.constant 8 : i32
      %dma_start3A_260 = arith.constant 0 : i32
      %dma_start3A_261 = tpu.memref_slice %arg7[%dma_start3A_245, %dma_start3A_259, %dma_start3A_260] : memref<2x32x128xf32, #tpu.memory_space<vmem>> -> memref<1x8x128xf32, #tpu.memory_space<vmem>>
      %dma_start3A_262 = tpu.memref_squeeze %dma_start3A_261 : memref<1x8x128xf32, #tpu.memory_space<vmem>> -> memref<8x128xf32, #tpu.memory_space<vmem>>
      tpu.enqueue_dma source(%dma_start3A_262 : memref<8x128xf32, #tpu.memory_space<vmem>>) target(%dma_start3A_258 : memref<8x128xf32, #tpu.memory_space<hbm>>) target_semaphore(%arg10 : memref<!tpu.dma_semaphore, #tpu.memory_space<semaphore_mem>>)
      %dma_start3A_263 = arith.constant 0 : i32
      %dma_start3A_264 = arith.constant 2 : i32
      %dma_start3A_265 = arith.constant 16 : i32
      %dma_start3A_266 = arith.constant 0 : i32
      %dma_start3A_267 = tpu.memref_slice %arg7[%dma_start3A_263, %dma_start3A_265, %dma_start3A_266] : memref<2x32x128xf32, #tpu.memory_space<vmem>> -> memref<1x8x128xf32, #tpu.memory_space<vmem>>
      %dma_start3A_268 = tpu.memref_squeeze %dma_start3A_267 : memref<1x8x128xf32, #tpu.memory_space<vmem>> -> memref<8x128xf32, #tpu.memory_space<vmem>>
      %dma_start3A_269 = arith.constant 0 : i32
      %dma_start3A_270 = arith.constant 0 : i32
      %dma_start3A_271 = tpu.memref_slice %arg4[%add3A_209, %dma_start3A_264, %add3A, %dma_start3A_269, %dma_start3A_270] : memref<50x4x32x8x128xf32, #tpu.memory_space<hbm>> -> memref<1x1x1x8x128xf32, #tpu.memory_space<hbm>>
      %dma_start3A_272 = tpu.memref_squeeze %dma_start3A_271 : memref<1x1x1x8x128xf32, #tpu.memory_space<hbm>> -> memref<8x128xf32, #tpu.memory_space<hbm>>
      %dma_start3A_273 = arith.constant 0 : i32
      %dma_start3A_274 = arith.constant 0 : i32
      %dma_start3A_275 = tpu.memref_slice %arg4[%add3A_209, %dma_start3A_264, %add3A, %dma_start3A_273, %dma_start3A_274] : memref<50x4x32x8x128xf32, #tpu.memory_space<hbm>> -> memref<1x1x1x8x128xf32, #tpu.memory_space<hbm>>
      %dma_start3A_276 = tpu.memref_squeeze %dma_start3A_275 : memref<1x1x1x8x128xf32, #tpu.memory_space<hbm>> -> memref<8x128xf32, #tpu.memory_space<hbm>>
      %dma_start3A_277 = arith.constant 16 : i32
      %dma_start3A_278 = arith.constant 0 : i32
      %dma_start3A_279 = tpu.memref_slice %arg7[%dma_start3A_263, %dma_start3A_277, %dma_start3A_278] : memref<2x32x128xf32, #tpu.memory_space<vmem>> -> memref<1x8x128xf32, #tpu.memory_space<vmem>>
      %dma_start3A_280 = tpu.memref_squeeze %dma_start3A_279 : memref<1x8x128xf32, #tpu.memory_space<vmem>> -> memref<8x128xf32, #tpu.memory_space<vmem>>
      tpu.enqueue_dma source(%dma_start3A_280 : memref<8x128xf32, #tpu.memory_space<vmem>>) target(%dma_start3A_276 : memref<8x128xf32, #tpu.memory_space<hbm>>) target_semaphore(%arg10 : memref<!tpu.dma_semaphore, #tpu.memory_space<semaphore_mem>>)
      %dma_start3A_281 = arith.constant 0 : i32
      %dma_start3A_282 = arith.constant 3 : i32
      %dma_start3A_283 = arith.constant 24 : i32
      %dma_start3A_284 = arith.constant 0 : i32
      %dma_start3A_285 = tpu.memref_slice %arg7[%dma_start3A_281, %dma_start3A_283, %dma_start3A_284] : memref<2x32x128xf32, #tpu.memory_space<vmem>> -> memref<1x8x128xf32, #tpu.memory_space<vmem>>
      %dma_start3A_286 = tpu.memref_squeeze %dma_start3A_285 : memref<1x8x128xf32, #tpu.memory_space<vmem>> -> memref<8x128xf32, #tpu.memory_space<vmem>>
      %dma_start3A_287 = arith.constant 0 : i32
      %dma_start3A_288 = arith.constant 0 : i32
      %dma_start3A_289 = tpu.memref_slice %arg4[%add3A_209, %dma_start3A_282, %add3A, %dma_start3A_287, %dma_start3A_288] : memref<50x4x32x8x128xf32, #tpu.memory_space<hbm>> -> memref<1x1x1x8x128xf32, #tpu.memory_space<hbm>>
      %dma_start3A_290 = tpu.memref_squeeze %dma_start3A_289 : memref<1x1x1x8x128xf32, #tpu.memory_space<hbm>> -> memref<8x128xf32, #tpu.memory_space<hbm>>
      %dma_start3A_291 = arith.constant 0 : i32
      %dma_start3A_292 = arith.constant 0 : i32
      %dma_start3A_293 = tpu.memref_slice %arg4[%add3A_209, %dma_start3A_282, %add3A, %dma_start3A_291, %dma_start3A_292] : memref<50x4x32x8x128xf32, #tpu.memory_space<hbm>> -> memref<1x1x1x8x128xf32, #tpu.memory_space<hbm>>
      %dma_start3A_294 = tpu.memref_squeeze %dma_start3A_293 : memref<1x1x1x8x128xf32, #tpu.memory_space<hbm>> -> memref<8x128xf32, #tpu.memory_space<hbm>>
      %dma_start3A_295 = arith.constant 24 : i32
      %dma_start3A_296 = arith.constant 0 : i32
      %dma_start3A_297 = tpu.memref_slice %arg7[%dma_start3A_281, %dma_start3A_295, %dma_start3A_296] : memref<2x32x128xf32, #tpu.memory_space<vmem>> -> memref<1x8x128xf32, #tpu.memory_space<vmem>>
      %dma_start3A_298 = tpu.memref_squeeze %dma_start3A_297 : memref<1x8x128xf32, #tpu.memory_space<vmem>> -> memref<8x128xf32, #tpu.memory_space<vmem>>
      tpu.enqueue_dma source(%dma_start3A_298 : memref<8x128xf32, #tpu.memory_space<vmem>>) target(%dma_start3A_294 : memref<8x128xf32, #tpu.memory_space<hbm>>) target_semaphore(%arg10 : memref<!tpu.dma_semaphore, #tpu.memory_space<semaphore_mem>>)
      %add3A_299 = arith.constant 2 : i32
      %add3A_300 = arith.addi %add3A_209, %add3A_299 : i32
      %lt3A = arith.constant 50 : i32
      %lt3A_301 = arith.cmpi slt, %add3A_300, %lt3A : i32
      %convert_element_type3A_302 = arith.extui %lt3A_301 : i1 to i32
      %cond3A_303 = arith.constant 0 : i32
      %cond3A_304 = arith.cmpi ne, %convert_element_type3A_302, %cond3A_303 : i32
      scf.if %cond3A_304 {
        %add3A_409 = arith.constant 2 : i32
        %add3A_410 = arith.addi %add3A_209, %add3A_409 : i32
        %dma_start3A_411 = arith.constant 0 : i32
        %dma_start3A_412 = arith.constant 0 : i32
        %dma_start3A_413 = arith.constant 0 : i32
        %dma_start3A_414 = tpu.memref_slice %arg6[%dma_start3A_411, %dma_start3A_412, %dma_start3A_413] : memref<2x128x128xf32, #tpu.memory_space<vmem>> -> memref<1x128x128xf32, #tpu.memory_space<vmem>>
        %dma_start3A_415 = tpu.memref_squeeze %dma_start3A_414 : memref<1x128x128xf32, #tpu.memory_space<vmem>> -> memref<128x128xf32, #tpu.memory_space<vmem>>
        %dma_start3A_416 = arith.constant 0 : i32
        %dma_start3A_417 = tpu.memref_slice %arg5[%add3A_410, %dma_start3A_416] : memref<50x128xi32, #tpu.memory_space<vmem>> -> memref<1x128xi32, #tpu.memory_space<vmem>>
        %dma_start3A_418 = tpu.memref_squeeze %dma_start3A_417 : memref<1x128xi32, #tpu.memory_space<vmem>> -> memref<128xi32, #tpu.memory_space<vmem>>
        %dma_start3A_419 = arith.constant 0 : i32
        %dma_start3A_420 = arith.constant 0 : i32
        %dma_start3A_421 = tpu.memref_slice %arg3[%dma_start3A_419, %dma_start3A_420] : memref<1000000x128xf32, #tpu.memory_space<hbm>> -> memref<1000000x128xf32, #tpu.memory_space<hbm>>
        tpu.enqueue_indirect_dma source(%dma_start3A_421 : memref<1000000x128xf32, #tpu.memory_space<hbm>>) target(%dma_start3A_415 : memref<128x128xf32, #tpu.memory_space<vmem>>) offsets(%dma_start3A_418 : memref<128xi32, #tpu.memory_space<vmem>>) semaphore(%arg8 : memref<!tpu.dma_semaphore, #tpu.memory_space<semaphore_mem>>)
      } else {
      }
      %mul3A_305 = arith.constant 2 : i32
      %mul3A_306 = arith.muli %mul3A_305, %scan3A_205 : i32
      %add3A_307 = arith.constant 1 : i32
      %add3A_308 = arith.addi %mul3A_306, %add3A_307 : i32
      %gt3A_309 = arith.constant 0 : i32
      %gt3A_310 = arith.cmpi sgt, %scan3A_205, %gt3A_309 : i32
      %convert_element_type3A_311 = arith.extui %gt3A_310 : i1 to i32
      %cond3A_312 = arith.constant 0 : i32
      %cond3A_313 = arith.cmpi ne, %convert_element_type3A_311, %cond3A_312 : i32
      scf.if %cond3A_313 {
        %dma_wait3A_409 = arith.constant 1 : i32
        %dma_wait3A_410 = arith.constant 0 : i32
        %dma_wait3A_411 = arith.constant 0 : i32
        %dma_wait3A_412 = arith.constant 0 : i32
        %dma_wait3A_413 = arith.constant 0 : i32
        %dma_wait3A_414 = tpu.memref_slice %arg7[%dma_wait3A_409, %dma_wait3A_412, %dma_wait3A_413] : memref<2x32x128xf32, #tpu.memory_space<vmem>> -> memref<1x8x128xf32, #tpu.memory_space<vmem>>
        %dma_wait3A_415 = tpu.memref_squeeze %dma_wait3A_414 : memref<1x8x128xf32, #tpu.memory_space<vmem>> -> memref<8x128xf32, #tpu.memory_space<vmem>>
        %dma_wait3A_416 = arith.constant 0 : i32
        %dma_wait3A_417 = arith.constant 0 : i32
        %dma_wait3A_418 = tpu.memref_slice %arg4[%dma_wait3A_410, %dma_wait3A_411, %add3A, %dma_wait3A_416, %dma_wait3A_417] : memref<50x4x32x8x128xf32, #tpu.memory_space<hbm>> -> memref<1x1x1x8x128xf32, #tpu.memory_space<hbm>>
        %dma_wait3A_419 = tpu.memref_squeeze %dma_wait3A_418 : memref<1x1x1x8x128xf32, #tpu.memory_space<hbm>> -> memref<8x128xf32, #tpu.memory_space<hbm>>
        %dma_wait3A_420 = arith.constant 0 : i32
        %dma_wait3A_421 = arith.constant 0 : i32
        %dma_wait3A_422 = tpu.memref_slice %arg4[%dma_wait3A_410, %dma_wait3A_411, %add3A, %dma_wait3A_420, %dma_wait3A_421] : memref<50x4x32x8x128xf32, #tpu.memory_space<hbm>> -> memref<1x1x1x8x128xf32, #tpu.memory_space<hbm>>
        %dma_wait3A_423 = tpu.memref_squeeze %dma_wait3A_422 : memref<1x1x1x8x128xf32, #tpu.memory_space<hbm>> -> memref<8x128xf32, #tpu.memory_space<hbm>>
        %dma_wait3A_424 = arith.constant 0 : i32
        %dma_wait3A_425 = arith.constant 0 : i32
        %dma_wait3A_426 = tpu.memref_slice %arg7[%dma_wait3A_409, %dma_wait3A_424, %dma_wait3A_425] : memref<2x32x128xf32, #tpu.memory_space<vmem>> -> memref<1x8x128xf32, #tpu.memory_space<vmem>>
        %dma_wait3A_427 = tpu.memref_squeeze %dma_wait3A_426 : memref<1x8x128xf32, #tpu.memory_space<vmem>> -> memref<8x128xf32, #tpu.memory_space<vmem>>
        tpu.wait_dma2 semaphore(%arg11 : memref<!tpu.dma_semaphore, #tpu.memory_space<semaphore_mem>>) src(%dma_wait3A_427 : memref<8x128xf32, #tpu.memory_space<vmem>>) dst(%dma_wait3A_423 : memref<8x128xf32, #tpu.memory_space<hbm>>)
        %dma_wait3A_428 = arith.constant 1 : i32
        %dma_wait3A_429 = arith.constant 0 : i32
        %dma_wait3A_430 = arith.constant 1 : i32
        %dma_wait3A_431 = arith.constant 8 : i32
        %dma_wait3A_432 = arith.constant 0 : i32
        %dma_wait3A_433 = tpu.memref_slice %arg7[%dma_wait3A_428, %dma_wait3A_431, %dma_wait3A_432] : memref<2x32x128xf32, #tpu.memory_space<vmem>> -> memref<1x8x128xf32, #tpu.memory_space<vmem>>
        %dma_wait3A_434 = tpu.memref_squeeze %dma_wait3A_433 : memref<1x8x128xf32, #tpu.memory_space<vmem>> -> memref<8x128xf32, #tpu.memory_space<vmem>>
        %dma_wait3A_435 = arith.constant 0 : i32
        %dma_wait3A_436 = arith.constant 0 : i32
        %dma_wait3A_437 = tpu.memref_slice %arg4[%dma_wait3A_429, %dma_wait3A_430, %add3A, %dma_wait3A_435, %dma_wait3A_436] : memref<50x4x32x8x128xf32, #tpu.memory_space<hbm>> -> memref<1x1x1x8x128xf32, #tpu.memory_space<hbm>>
        %dma_wait3A_438 = tpu.memref_squeeze %dma_wait3A_437 : memref<1x1x1x8x128xf32, #tpu.memory_space<hbm>> -> memref<8x128xf32, #tpu.memory_space<hbm>>
        %dma_wait3A_439 = arith.constant 0 : i32
        %dma_wait3A_440 = arith.constant 0 : i32
        %dma_wait3A_441 = tpu.memref_slice %arg4[%dma_wait3A_429, %dma_wait3A_430, %add3A, %dma_wait3A_439, %dma_wait3A_440] : memref<50x4x32x8x128xf32, #tpu.memory_space<hbm>> -> memref<1x1x1x8x128xf32, #tpu.memory_space<hbm>>
        %dma_wait3A_442 = tpu.memref_squeeze %dma_wait3A_441 : memref<1x1x1x8x128xf32, #tpu.memory_space<hbm>> -> memref<8x128xf32, #tpu.memory_space<hbm>>
        %dma_wait3A_443 = arith.constant 8 : i32
        %dma_wait3A_444 = arith.constant 0 : i32
        %dma_wait3A_445 = tpu.memref_slice %arg7[%dma_wait3A_428, %dma_wait3A_443, %dma_wait3A_444] : memref<2x32x128xf32, #tpu.memory_space<vmem>> -> memref<1x8x128xf32, #tpu.memory_space<vmem>>
        %dma_wait3A_446 = tpu.memref_squeeze %dma_wait3A_445 : memref<1x8x128xf32, #tpu.memory_space<vmem>> -> memref<8x128xf32, #tpu.memory_space<vmem>>
        tpu.wait_dma2 semaphore(%arg11 : memref<!tpu.dma_semaphore, #tpu.memory_space<semaphore_mem>>) src(%dma_wait3A_446 : memref<8x128xf32, #tpu.memory_space<vmem>>) dst(%dma_wait3A_442 : memref<8x128xf32, #tpu.memory_space<hbm>>)
        %dma_wait3A_447 = arith.constant 1 : i32
        %dma_wait3A_448 = arith.constant 0 : i32
        %dma_wait3A_449 = arith.constant 2 : i32
        %dma_wait3A_450 = arith.constant 16 : i32
        %dma_wait3A_451 = arith.constant 0 : i32
        %dma_wait3A_452 = tpu.memref_slice %arg7[%dma_wait3A_447, %dma_wait3A_450, %dma_wait3A_451] : memref<2x32x128xf32, #tpu.memory_space<vmem>> -> memref<1x8x128xf32, #tpu.memory_space<vmem>>
        %dma_wait3A_453 = tpu.memref_squeeze %dma_wait3A_452 : memref<1x8x128xf32, #tpu.memory_space<vmem>> -> memref<8x128xf32, #tpu.memory_space<vmem>>
        %dma_wait3A_454 = arith.constant 0 : i32
        %dma_wait3A_455 = arith.constant 0 : i32
        %dma_wait3A_456 = tpu.memref_slice %arg4[%dma_wait3A_448, %dma_wait3A_449, %add3A, %dma_wait3A_454, %dma_wait3A_455] : memref<50x4x32x8x128xf32, #tpu.memory_space<hbm>> -> memref<1x1x1x8x128xf32, #tpu.memory_space<hbm>>
        %dma_wait3A_457 = tpu.memref_squeeze %dma_wait3A_456 : memref<1x1x1x8x128xf32, #tpu.memory_space<hbm>> -> memref<8x128xf32, #tpu.memory_space<hbm>>
        %dma_wait3A_458 = arith.constant 0 : i32
        %dma_wait3A_459 = arith.constant 0 : i32
        %dma_wait3A_460 = tpu.memref_slice %arg4[%dma_wait3A_448, %dma_wait3A_449, %add3A, %dma_wait3A_458, %dma_wait3A_459] : memref<50x4x32x8x128xf32, #tpu.memory_space<hbm>> -> memref<1x1x1x8x128xf32, #tpu.memory_space<hbm>>
        %dma_wait3A_461 = tpu.memref_squeeze %dma_wait3A_460 : memref<1x1x1x8x128xf32, #tpu.memory_space<hbm>> -> memref<8x128xf32, #tpu.memory_space<hbm>>
        %dma_wait3A_462 = arith.constant 16 : i32
        %dma_wait3A_463 = arith.constant 0 : i32
        %dma_wait3A_464 = tpu.memref_slice %arg7[%dma_wait3A_447, %dma_wait3A_462, %dma_wait3A_463] : memref<2x32x128xf32, #tpu.memory_space<vmem>> -> memref<1x8x128xf32, #tpu.memory_space<vmem>>
        %dma_wait3A_465 = tpu.memref_squeeze %dma_wait3A_464 : memref<1x8x128xf32, #tpu.memory_space<vmem>> -> memref<8x128xf32, #tpu.memory_space<vmem>>
        tpu.wait_dma2 semaphore(%arg11 : memref<!tpu.dma_semaphore, #tpu.memory_space<semaphore_mem>>) src(%dma_wait3A_465 : memref<8x128xf32, #tpu.memory_space<vmem>>) dst(%dma_wait3A_461 : memref<8x128xf32, #tpu.memory_space<hbm>>)
        %dma_wait3A_466 = arith.constant 1 : i32
        %dma_wait3A_467 = arith.constant 0 : i32
        %dma_wait3A_468 = arith.constant 3 : i32
        %dma_wait3A_469 = arith.constant 24 : i32
        %dma_wait3A_470 = arith.constant 0 : i32
        %dma_wait3A_471 = tpu.memref_slice %arg7[%dma_wait3A_466, %dma_wait3A_469, %dma_wait3A_470] : memref<2x32x128xf32, #tpu.memory_space<vmem>> -> memref<1x8x128xf32, #tpu.memory_space<vmem>>
        %dma_wait3A_472 = tpu.memref_squeeze %dma_wait3A_471 : memref<1x8x128xf32, #tpu.memory_space<vmem>> -> memref<8x128xf32, #tpu.memory_space<vmem>>
        %dma_wait3A_473 = arith.constant 0 : i32
        %dma_wait3A_474 = arith.constant 0 : i32
        %dma_wait3A_475 = tpu.memref_slice %arg4[%dma_wait3A_467, %dma_wait3A_468, %add3A, %dma_wait3A_473, %dma_wait3A_474] : memref<50x4x32x8x128xf32, #tpu.memory_space<hbm>> -> memref<1x1x1x8x128xf32, #tpu.memory_space<hbm>>
        %dma_wait3A_476 = tpu.memref_squeeze %dma_wait3A_475 : memref<1x1x1x8x128xf32, #tpu.memory_space<hbm>> -> memref<8x128xf32, #tpu.memory_space<hbm>>
        %dma_wait3A_477 = arith.constant 0 : i32
        %dma_wait3A_478 = arith.constant 0 : i32
        %dma_wait3A_479 = tpu.memref_slice %arg4[%dma_wait3A_467, %dma_wait3A_468, %add3A, %dma_wait3A_477, %dma_wait3A_478] : memref<50x4x32x8x128xf32, #tpu.memory_space<hbm>> -> memref<1x1x1x8x128xf32, #tpu.memory_space<hbm>>
        %dma_wait3A_480 = tpu.memref_squeeze %dma_wait3A_479 : memref<1x1x1x8x128xf32, #tpu.memory_space<hbm>> -> memref<8x128xf32, #tpu.memory_space<hbm>>
        %dma_wait3A_481 = arith.constant 24 : i32
        %dma_wait3A_482 = arith.constant 0 : i32
        %dma_wait3A_483 = tpu.memref_slice %arg7[%dma_wait3A_466, %dma_wait3A_481, %dma_wait3A_482] : memref<2x32x128xf32, #tpu.memory_space<vmem>> -> memref<1x8x128xf32, #tpu.memory_space<vmem>>
        %dma_wait3A_484 = tpu.memref_squeeze %dma_wait3A_483 : memref<1x8x128xf32, #tpu.memory_space<vmem>> -> memref<8x128xf32, #tpu.memory_space<vmem>>
        tpu.wait_dma2 semaphore(%arg11 : memref<!tpu.dma_semaphore, #tpu.memory_space<semaphore_mem>>) src(%dma_wait3A_484 : memref<8x128xf32, #tpu.memory_space<vmem>>) dst(%dma_wait3A_480 : memref<8x128xf32, #tpu.memory_space<hbm>>)
      } else {
      }
      %dma_wait3A_314 = arith.constant 1 : i32
      %dma_wait3A_315 = arith.constant 0 : i32
      %dma_wait3A_316 = arith.constant 0 : i32
      %dma_wait3A_317 = tpu.memref_slice %arg6[%dma_wait3A_314, %dma_wait3A_315, %dma_wait3A_316] : memref<2x128x128xf32, #tpu.memory_space<vmem>> -> memref<1x128x128xf32, #tpu.memory_space<vmem>>
      %dma_wait3A_318 = tpu.memref_squeeze %dma_wait3A_317 : memref<1x128x128xf32, #tpu.memory_space<vmem>> -> memref<128x128xf32, #tpu.memory_space<vmem>>
      %dma_wait3A_319 = arith.constant 0 : i32
      %dma_wait3A_320 = tpu.memref_slice %arg5[%add3A_308, %dma_wait3A_319] : memref<50x128xi32, #tpu.memory_space<vmem>> -> memref<1x128xi32, #tpu.memory_space<vmem>>
      %dma_wait3A_321 = tpu.memref_squeeze %dma_wait3A_320 : memref<1x128xi32, #tpu.memory_space<vmem>> -> memref<128xi32, #tpu.memory_space<vmem>>
      %dma_wait3A_322 = arith.constant 0 : i32
      %dma_wait3A_323 = arith.constant 0 : i32
      %dma_wait3A_324 = tpu.memref_slice %arg3[%dma_wait3A_322, %dma_wait3A_323] : memref<1000000x128xf32, #tpu.memory_space<hbm>> -> memref<1000000x128xf32, #tpu.memory_space<hbm>>
      tpu.wait_indirect_dma semaphore(%arg9 : memref<!tpu.dma_semaphore, #tpu.memory_space<semaphore_mem>>) src(%dma_wait3A_324 : memref<1000000x128xf32, #tpu.memory_space<hbm>>) dst(%dma_wait3A_318 : memref<128x128xf32, #tpu.memory_space<vmem>>)
      %parallel_loop3A_325 = arith.constant 0 : i32
      %parallel_loop3A_326 = arith.constant 32 : i32
      %parallel_loop3A_327 = arith.constant 1 : i32
      %parallel_loop3A_328 = arith.constant 1 : i32
      %parallel_loop3A_329 = arith.constant 1 : i32
      scf.for %parallel_loop3A_409 = %parallel_loop3A_325 to %parallel_loop3A_326 step %parallel_loop3A_327  : i32 {
        %parallel_loop3A_410 = arith.constant 0 : i32
        %parallel_loop3A_411 = vector.broadcast %parallel_loop3A_410 : i32 to vector<16xi32>
        %parallel_loop3A_412 = vector.broadcast %parallel_loop3A_409 : i32 to vector<16xi32>
        %parallel_loop3A_413 = arith.addi %parallel_loop3A_411, %parallel_loop3A_412 : vector<16xi32>
        %parallel_loop3A_414 = arith.constant 0 : i32
        %parallel_loop3A_415 = arith.constant 0 : i32
        %parallel_loop3A_416 = tpu.memref_slice %arg6[%parallel_loop3A_328, %parallel_loop3A_414, %parallel_loop3A_415] : memref<2x128x128xf32, #tpu.memory_space<vmem>> -> memref<1x128x128xf32, #tpu.memory_space<vmem>>
        %parallel_loop3A_417 = tpu.memref_squeeze %parallel_loop3A_416 : memref<1x128x128xf32, #tpu.memory_space<vmem>> -> memref<128x128xf32, #tpu.memory_space<vmem>>
        %parallel_loop3A_418 = tpu.vector_load_idx %parallel_loop3A_417[%add3A_5, %parallel_loop3A_413] : memref<128x128xf32, #tpu.memory_space<vmem>>[vector<16xi32>, vector<16xi32>], vector<16xf32>,
        %parallel_loop3A_419 = arith.constant 0 : i32
        %parallel_loop3A_420 = arith.constant 0 : i32
        %parallel_loop3A_421 = tpu.memref_slice %arg7[%parallel_loop3A_329, %parallel_loop3A_419, %parallel_loop3A_420] : memref<2x32x128xf32, #tpu.memory_space<vmem>> -> memref<1x32x128xf32, #tpu.memory_space<vmem>>
        %parallel_loop3A_422 = tpu.memref_squeeze %parallel_loop3A_421 : memref<1x32x128xf32, #tpu.memory_space<vmem>> -> memref<32x128xf32, #tpu.memory_space<vmem>>
        %parallel_loop3A_423 = arith.index_cast %parallel_loop3A_409 : i32 to index
        %parallel_loop3A_424 = arith.constant 0 : index
        %parallel_loop3A_425 = tpu.vector_load %parallel_loop3A_422[%parallel_loop3A_423, %parallel_loop3A_424] {strides = array<i32>} : memref<32x128xf32, #tpu.memory_space<vmem>>, vector<16xf32>,
        tpu.vector_store %parallel_loop3A_422[%parallel_loop3A_423, %parallel_loop3A_424], %parallel_loop3A_418 {strides = array<i32>} : memref<32x128xf32, #tpu.memory_space<vmem>>, vector<16xf32>,
        %parallel_loop3A_426 = arith.constant 0 : i32
        %parallel_loop3A_427 = arith.constant 0 : i32
        %parallel_loop3A_428 = tpu.memref_slice %arg6[%parallel_loop3A_328, %parallel_loop3A_426, %parallel_loop3A_427] : memref<2x128x128xf32, #tpu.memory_space<vmem>> -> memref<1x128x128xf32, #tpu.memory_space<vmem>>
        %parallel_loop3A_429 = tpu.memref_squeeze %parallel_loop3A_428 : memref<1x128x128xf32, #tpu.memory_space<vmem>> -> memref<128x128xf32, #tpu.memory_space<vmem>>
        %parallel_loop3A_430 = tpu.vector_load_idx %parallel_loop3A_429[%add3A_8, %parallel_loop3A_413] : memref<128x128xf32, #tpu.memory_space<vmem>>[vector<16xi32>, vector<16xi32>], vector<16xf32>,
        %parallel_loop3A_431 = arith.constant 0 : i32
        %parallel_loop3A_432 = arith.constant 0 : i32
        %parallel_loop3A_433 = tpu.memref_slice %arg7[%parallel_loop3A_329, %parallel_loop3A_431, %parallel_loop3A_432] : memref<2x32x128xf32, #tpu.memory_space<vmem>> -> memref<1x32x128xf32, #tpu.memory_space<vmem>>
        %parallel_loop3A_434 = tpu.memref_squeeze %parallel_loop3A_433 : memref<1x32x128xf32, #tpu.memory_space<vmem>> -> memref<32x128xf32, #tpu.memory_space<vmem>>
        %parallel_loop3A_435 = arith.index_cast %parallel_loop3A_409 : i32 to index
        %parallel_loop3A_436 = arith.constant 16 : index
        %parallel_loop3A_437 = tpu.vector_load %parallel_loop3A_434[%parallel_loop3A_435, %parallel_loop3A_436] {strides = array<i32>} : memref<32x128xf32, #tpu.memory_space<vmem>>, vector<16xf32>,
        tpu.vector_store %parallel_loop3A_434[%parallel_loop3A_435, %parallel_loop3A_436], %parallel_loop3A_430 {strides = array<i32>} : memref<32x128xf32, #tpu.memory_space<vmem>>, vector<16xf32>,
        %parallel_loop3A_438 = arith.constant 0 : i32
        %parallel_loop3A_439 = arith.constant 0 : i32
        %parallel_loop3A_440 = tpu.memref_slice %arg6[%parallel_loop3A_328, %parallel_loop3A_438, %parallel_loop3A_439] : memref<2x128x128xf32, #tpu.memory_space<vmem>> -> memref<1x128x128xf32, #tpu.memory_space<vmem>>
        %parallel_loop3A_441 = tpu.memref_squeeze %parallel_loop3A_440 : memref<1x128x128xf32, #tpu.memory_space<vmem>> -> memref<128x128xf32, #tpu.memory_space<vmem>>
        %parallel_loop3A_442 = tpu.vector_load_idx %parallel_loop3A_441[%add3A_11, %parallel_loop3A_413] : memref<128x128xf32, #tpu.memory_space<vmem>>[vector<16xi32>, vector<16xi32>], vector<16xf32>,
        %parallel_loop3A_443 = arith.constant 0 : i32
        %parallel_loop3A_444 = arith.constant 0 : i32
        %parallel_loop3A_445 = tpu.memref_slice %arg7[%parallel_loop3A_329, %parallel_loop3A_443, %parallel_loop3A_444] : memref<2x32x128xf32, #tpu.memory_space<vmem>> -> memref<1x32x128xf32, #tpu.memory_space<vmem>>
        %parallel_loop3A_446 = tpu.memref_squeeze %parallel_loop3A_445 : memref<1x32x128xf32, #tpu.memory_space<vmem>> -> memref<32x128xf32, #tpu.memory_space<vmem>>
        %parallel_loop3A_447 = arith.index_cast %parallel_loop3A_409 : i32 to index
        %parallel_loop3A_448 = arith.constant 32 : index
        %parallel_loop3A_449 = tpu.vector_load %parallel_loop3A_446[%parallel_loop3A_447, %parallel_loop3A_448] {strides = array<i32>} : memref<32x128xf32, #tpu.memory_space<vmem>>, vector<16xf32>,
        tpu.vector_store %parallel_loop3A_446[%parallel_loop3A_447, %parallel_loop3A_448], %parallel_loop3A_442 {strides = array<i32>} : memref<32x128xf32, #tpu.memory_space<vmem>>, vector<16xf32>,
        %parallel_loop3A_450 = arith.constant 0 : i32
        %parallel_loop3A_451 = arith.constant 0 : i32
        %parallel_loop3A_452 = tpu.memref_slice %arg6[%parallel_loop3A_328, %parallel_loop3A_450, %parallel_loop3A_451] : memref<2x128x128xf32, #tpu.memory_space<vmem>> -> memref<1x128x128xf32, #tpu.memory_space<vmem>>
        %parallel_loop3A_453 = tpu.memref_squeeze %parallel_loop3A_452 : memref<1x128x128xf32, #tpu.memory_space<vmem>> -> memref<128x128xf32, #tpu.memory_space<vmem>>
        %parallel_loop3A_454 = tpu.vector_load_idx %parallel_loop3A_453[%add3A_14, %parallel_loop3A_413] : memref<128x128xf32, #tpu.memory_space<vmem>>[vector<16xi32>, vector<16xi32>], vector<16xf32>,
        %parallel_loop3A_455 = arith.constant 0 : i32
        %parallel_loop3A_456 = arith.constant 0 : i32
        %parallel_loop3A_457 = tpu.memref_slice %arg7[%parallel_loop3A_329, %parallel_loop3A_455, %parallel_loop3A_456] : memref<2x32x128xf32, #tpu.memory_space<vmem>> -> memref<1x32x128xf32, #tpu.memory_space<vmem>>
        %parallel_loop3A_458 = tpu.memref_squeeze %parallel_loop3A_457 : memref<1x32x128xf32, #tpu.memory_space<vmem>> -> memref<32x128xf32, #tpu.memory_space<vmem>>
        %parallel_loop3A_459 = arith.index_cast %parallel_loop3A_409 : i32 to index
        %parallel_loop3A_460 = arith.constant 48 : index
        %parallel_loop3A_461 = tpu.vector_load %parallel_loop3A_458[%parallel_loop3A_459, %parallel_loop3A_460] {strides = array<i32>} : memref<32x128xf32, #tpu.memory_space<vmem>>, vector<16xf32>,
        tpu.vector_store %parallel_loop3A_458[%parallel_loop3A_459, %parallel_loop3A_460], %parallel_loop3A_454 {strides = array<i32>} : memref<32x128xf32, #tpu.memory_space<vmem>>, vector<16xf32>,
        %parallel_loop3A_462 = arith.constant 0 : i32
        %parallel_loop3A_463 = arith.constant 0 : i32
        %parallel_loop3A_464 = tpu.memref_slice %arg6[%parallel_loop3A_328, %parallel_loop3A_462, %parallel_loop3A_463] : memref<2x128x128xf32, #tpu.memory_space<vmem>> -> memref<1x128x128xf32, #tpu.memory_space<vmem>>
        %parallel_loop3A_465 = tpu.memref_squeeze %parallel_loop3A_464 : memref<1x128x128xf32, #tpu.memory_space<vmem>> -> memref<128x128xf32, #tpu.memory_space<vmem>>
        %parallel_loop3A_466 = tpu.vector_load_idx %parallel_loop3A_465[%add3A_17, %parallel_loop3A_413] : memref<128x128xf32, #tpu.memory_space<vmem>>[vector<16xi32>, vector<16xi32>], vector<16xf32>,
        %parallel_loop3A_467 = arith.constant 0 : i32
        %parallel_loop3A_468 = arith.constant 0 : i32
        %parallel_loop3A_469 = tpu.memref_slice %arg7[%parallel_loop3A_329, %parallel_loop3A_467, %parallel_loop3A_468] : memref<2x32x128xf32, #tpu.memory_space<vmem>> -> memref<1x32x128xf32, #tpu.memory_space<vmem>>
        %parallel_loop3A_470 = tpu.memref_squeeze %parallel_loop3A_469 : memref<1x32x128xf32, #tpu.memory_space<vmem>> -> memref<32x128xf32, #tpu.memory_space<vmem>>
        %parallel_loop3A_471 = arith.index_cast %parallel_loop3A_409 : i32 to index
        %parallel_loop3A_472 = arith.constant 64 : index
        %parallel_loop3A_473 = tpu.vector_load %parallel_loop3A_470[%parallel_loop3A_471, %parallel_loop3A_472] {strides = array<i32>} : memref<32x128xf32, #tpu.memory_space<vmem>>, vector<16xf32>,
        tpu.vector_store %parallel_loop3A_470[%parallel_loop3A_471, %parallel_loop3A_472], %parallel_loop3A_466 {strides = array<i32>} : memref<32x128xf32, #tpu.memory_space<vmem>>, vector<16xf32>,
        %parallel_loop3A_474 = arith.constant 0 : i32
        %parallel_loop3A_475 = arith.constant 0 : i32
        %parallel_loop3A_476 = tpu.memref_slice %arg6[%parallel_loop3A_328, %parallel_loop3A_474, %parallel_loop3A_475] : memref<2x128x128xf32, #tpu.memory_space<vmem>> -> memref<1x128x128xf32, #tpu.memory_space<vmem>>
        %parallel_loop3A_477 = tpu.memref_squeeze %parallel_loop3A_476 : memref<1x128x128xf32, #tpu.memory_space<vmem>> -> memref<128x128xf32, #tpu.memory_space<vmem>>
        %parallel_loop3A_478 = tpu.vector_load_idx %parallel_loop3A_477[%add3A_20, %parallel_loop3A_413] : memref<128x128xf32, #tpu.memory_space<vmem>>[vector<16xi32>, vector<16xi32>], vector<16xf32>,
        %parallel_loop3A_479 = arith.constant 0 : i32
        %parallel_loop3A_480 = arith.constant 0 : i32
        %parallel_loop3A_481 = tpu.memref_slice %arg7[%parallel_loop3A_329, %parallel_loop3A_479, %parallel_loop3A_480] : memref<2x32x128xf32, #tpu.memory_space<vmem>> -> memref<1x32x128xf32, #tpu.memory_space<vmem>>
        %parallel_loop3A_482 = tpu.memref_squeeze %parallel_loop3A_481 : memref<1x32x128xf32, #tpu.memory_space<vmem>> -> memref<32x128xf32, #tpu.memory_space<vmem>>
        %parallel_loop3A_483 = arith.index_cast %parallel_loop3A_409 : i32 to index
        %parallel_loop3A_484 = arith.constant 80 : index
        %parallel_loop3A_485 = tpu.vector_load %parallel_loop3A_482[%parallel_loop3A_483, %parallel_loop3A_484] {strides = array<i32>} : memref<32x128xf32, #tpu.memory_space<vmem>>, vector<16xf32>,
        tpu.vector_store %parallel_loop3A_482[%parallel_loop3A_483, %parallel_loop3A_484], %parallel_loop3A_478 {strides = array<i32>} : memref<32x128xf32, #tpu.memory_space<vmem>>, vector<16xf32>,
        %parallel_loop3A_486 = arith.constant 0 : i32
        %parallel_loop3A_487 = arith.constant 0 : i32
        %parallel_loop3A_488 = tpu.memref_slice %arg6[%parallel_loop3A_328, %parallel_loop3A_486, %parallel_loop3A_487] : memref<2x128x128xf32, #tpu.memory_space<vmem>> -> memref<1x128x128xf32, #tpu.memory_space<vmem>>
        %parallel_loop3A_489 = tpu.memref_squeeze %parallel_loop3A_488 : memref<1x128x128xf32, #tpu.memory_space<vmem>> -> memref<128x128xf32, #tpu.memory_space<vmem>>
        %parallel_loop3A_490 = tpu.vector_load_idx %parallel_loop3A_489[%add3A_23, %parallel_loop3A_413] : memref<128x128xf32, #tpu.memory_space<vmem>>[vector<16xi32>, vector<16xi32>], vector<16xf32>,
        %parallel_loop3A_491 = arith.constant 0 : i32
        %parallel_loop3A_492 = arith.constant 0 : i32
        %parallel_loop3A_493 = tpu.memref_slice %arg7[%parallel_loop3A_329, %parallel_loop3A_491, %parallel_loop3A_492] : memref<2x32x128xf32, #tpu.memory_space<vmem>> -> memref<1x32x128xf32, #tpu.memory_space<vmem>>
        %parallel_loop3A_494 = tpu.memref_squeeze %parallel_loop3A_493 : memref<1x32x128xf32, #tpu.memory_space<vmem>> -> memref<32x128xf32, #tpu.memory_space<vmem>>
        %parallel_loop3A_495 = arith.index_cast %parallel_loop3A_409 : i32 to index
        %parallel_loop3A_496 = arith.constant 96 : index
        %parallel_loop3A_497 = tpu.vector_load %parallel_loop3A_494[%parallel_loop3A_495, %parallel_loop3A_496] {strides = array<i32>} : memref<32x128xf32, #tpu.memory_space<vmem>>, vector<16xf32>,
        tpu.vector_store %parallel_loop3A_494[%parallel_loop3A_495, %parallel_loop3A_496], %parallel_loop3A_490 {strides = array<i32>} : memref<32x128xf32, #tpu.memory_space<vmem>>, vector<16xf32>,
        %parallel_loop3A_498 = arith.constant 0 : i32
        %parallel_loop3A_499 = arith.constant 0 : i32
        %parallel_loop3A_500 = tpu.memref_slice %arg6[%parallel_loop3A_328, %parallel_loop3A_498, %parallel_loop3A_499] : memref<2x128x128xf32, #tpu.memory_space<vmem>> -> memref<1x128x128xf32, #tpu.memory_space<vmem>>
        %parallel_loop3A_501 = tpu.memref_squeeze %parallel_loop3A_500 : memref<1x128x128xf32, #tpu.memory_space<vmem>> -> memref<128x128xf32, #tpu.memory_space<vmem>>
        %parallel_loop3A_502 = tpu.vector_load_idx %parallel_loop3A_501[%add3A_26, %parallel_loop3A_413] : memref<128x128xf32, #tpu.memory_space<vmem>>[vector<16xi32>, vector<16xi32>], vector<16xf32>,
        %parallel_loop3A_503 = arith.constant 0 : i32
        %parallel_loop3A_504 = arith.constant 0 : i32
        %parallel_loop3A_505 = tpu.memref_slice %arg7[%parallel_loop3A_329, %parallel_loop3A_503, %parallel_loop3A_504] : memref<2x32x128xf32, #tpu.memory_space<vmem>> -> memref<1x32x128xf32, #tpu.memory_space<vmem>>
        %parallel_loop3A_506 = tpu.memref_squeeze %parallel_loop3A_505 : memref<1x32x128xf32, #tpu.memory_space<vmem>> -> memref<32x128xf32, #tpu.memory_space<vmem>>
        %parallel_loop3A_507 = arith.index_cast %parallel_loop3A_409 : i32 to index
        %parallel_loop3A_508 = arith.constant 112 : index
        %parallel_loop3A_509 = tpu.vector_load %parallel_loop3A_506[%parallel_loop3A_507, %parallel_loop3A_508] {strides = array<i32>} : memref<32x128xf32, #tpu.memory_space<vmem>>, vector<16xf32>,
        tpu.vector_store %parallel_loop3A_506[%parallel_loop3A_507, %parallel_loop3A_508], %parallel_loop3A_502 {strides = array<i32>} : memref<32x128xf32, #tpu.memory_space<vmem>>, vector<16xf32>,
      } {sc.loop_unroll_factor = 4 : i64, sc.parallel_access}
      %dma_start3A_330 = arith.constant 1 : i32
      %dma_start3A_331 = arith.constant 0 : i32
      %dma_start3A_332 = arith.constant 0 : i32
      %dma_start3A_333 = arith.constant 0 : i32
      %dma_start3A_334 = tpu.memref_slice %arg7[%dma_start3A_330, %dma_start3A_332, %dma_start3A_333] : memref<2x32x128xf32, #tpu.memory_space<vmem>> -> memref<1x8x128xf32, #tpu.memory_space<vmem>>
      %dma_start3A_335 = tpu.memref_squeeze %dma_start3A_334 : memref<1x8x128xf32, #tpu.memory_space<vmem>> -> memref<8x128xf32, #tpu.memory_space<vmem>>
      %dma_start3A_336 = arith.constant 0 : i32
      %dma_start3A_337 = arith.constant 0 : i32
      %dma_start3A_338 = tpu.memref_slice %arg4[%add3A_308, %dma_start3A_331, %add3A, %dma_start3A_336, %dma_start3A_337] : memref<50x4x32x8x128xf32, #tpu.memory_space<hbm>> -> memref<1x1x1x8x128xf32, #tpu.memory_space<hbm>>
      %dma_start3A_339 = tpu.memref_squeeze %dma_start3A_338 : memref<1x1x1x8x128xf32, #tpu.memory_space<hbm>> -> memref<8x128xf32, #tpu.memory_space<hbm>>
      %dma_start3A_340 = arith.constant 0 : i32
      %dma_start3A_341 = arith.constant 0 : i32
      %dma_start3A_342 = tpu.memref_slice %arg4[%add3A_308, %dma_start3A_331, %add3A, %dma_start3A_340, %dma_start3A_341] : memref<50x4x32x8x128xf32, #tpu.memory_space<hbm>> -> memref<1x1x1x8x128xf32, #tpu.memory_space<hbm>>
      %dma_start3A_343 = tpu.memref_squeeze %dma_start3A_342 : memref<1x1x1x8x128xf32, #tpu.memory_space<hbm>> -> memref<8x128xf32, #tpu.memory_space<hbm>>
      %dma_start3A_344 = arith.constant 0 : i32
      %dma_start3A_345 = arith.constant 0 : i32
      %dma_start3A_346 = tpu.memref_slice %arg7[%dma_start3A_330, %dma_start3A_344, %dma_start3A_345] : memref<2x32x128xf32, #tpu.memory_space<vmem>> -> memref<1x8x128xf32, #tpu.memory_space<vmem>>
      %dma_start3A_347 = tpu.memref_squeeze %dma_start3A_346 : memref<1x8x128xf32, #tpu.memory_space<vmem>> -> memref<8x128xf32, #tpu.memory_space<vmem>>
      tpu.enqueue_dma source(%dma_start3A_347 : memref<8x128xf32, #tpu.memory_space<vmem>>) target(%dma_start3A_343 : memref<8x128xf32, #tpu.memory_space<hbm>>) target_semaphore(%arg11 : memref<!tpu.dma_semaphore, #tpu.memory_space<semaphore_mem>>)
      %dma_start3A_348 = arith.constant 1 : i32
      %dma_start3A_349 = arith.constant 1 : i32
      %dma_start3A_350 = arith.constant 8 : i32
      %dma_start3A_351 = arith.constant 0 : i32
      %dma_start3A_352 = tpu.memref_slice %arg7[%dma_start3A_348, %dma_start3A_350, %dma_start3A_351] : memref<2x32x128xf32, #tpu.memory_space<vmem>> -> memref<1x8x128xf32, #tpu.memory_space<vmem>>
      %dma_start3A_353 = tpu.memref_squeeze %dma_start3A_352 : memref<1x8x128xf32, #tpu.memory_space<vmem>> -> memref<8x128xf32, #tpu.memory_space<vmem>>
      %dma_start3A_354 = arith.constant 0 : i32
      %dma_start3A_355 = arith.constant 0 : i32
      %dma_start3A_356 = tpu.memref_slice %arg4[%add3A_308, %dma_start3A_349, %add3A, %dma_start3A_354, %dma_start3A_355] : memref<50x4x32x8x128xf32, #tpu.memory_space<hbm>> -> memref<1x1x1x8x128xf32, #tpu.memory_space<hbm>>
      %dma_start3A_357 = tpu.memref_squeeze %dma_start3A_356 : memref<1x1x1x8x128xf32, #tpu.memory_space<hbm>> -> memref<8x128xf32, #tpu.memory_space<hbm>>
      %dma_start3A_358 = arith.constant 0 : i32
      %dma_start3A_359 = arith.constant 0 : i32
      %dma_start3A_360 = tpu.memref_slice %arg4[%add3A_308, %dma_start3A_349, %add3A, %dma_start3A_358, %dma_start3A_359] : memref<50x4x32x8x128xf32, #tpu.memory_space<hbm>> -> memref<1x1x1x8x128xf32, #tpu.memory_space<hbm>>
      %dma_start3A_361 = tpu.memref_squeeze %dma_start3A_360 : memref<1x1x1x8x128xf32, #tpu.memory_space<hbm>> -> memref<8x128xf32, #tpu.memory_space<hbm>>
      %dma_start3A_362 = arith.constant 8 : i32
      %dma_start3A_363 = arith.constant 0 : i32
      %dma_start3A_364 = tpu.memref_slice %arg7[%dma_start3A_348, %dma_start3A_362, %dma_start3A_363] : memref<2x32x128xf32, #tpu.memory_space<vmem>> -> memref<1x8x128xf32, #tpu.memory_space<vmem>>
      %dma_start3A_365 = tpu.memref_squeeze %dma_start3A_364 : memref<1x8x128xf32, #tpu.memory_space<vmem>> -> memref<8x128xf32, #tpu.memory_space<vmem>>
      tpu.enqueue_dma source(%dma_start3A_365 : memref<8x128xf32, #tpu.memory_space<vmem>>) target(%dma_start3A_361 : memref<8x128xf32, #tpu.memory_space<hbm>>) target_semaphore(%arg11 : memref<!tpu.dma_semaphore, #tpu.memory_space<semaphore_mem>>)
      %dma_start3A_366 = arith.constant 1 : i32
      %dma_start3A_367 = arith.constant 2 : i32
      %dma_start3A_368 = arith.constant 16 : i32
      %dma_start3A_369 = arith.constant 0 : i32
      %dma_start3A_370 = tpu.memref_slice %arg7[%dma_start3A_366, %dma_start3A_368, %dma_start3A_369] : memref<2x32x128xf32, #tpu.memory_space<vmem>> -> memref<1x8x128xf32, #tpu.memory_space<vmem>>
      %dma_start3A_371 = tpu.memref_squeeze %dma_start3A_370 : memref<1x8x128xf32, #tpu.memory_space<vmem>> -> memref<8x128xf32, #tpu.memory_space<vmem>>
      %dma_start3A_372 = arith.constant 0 : i32
      %dma_start3A_373 = arith.constant 0 : i32
      %dma_start3A_374 = tpu.memref_slice %arg4[%add3A_308, %dma_start3A_367, %add3A, %dma_start3A_372, %dma_start3A_373] : memref<50x4x32x8x128xf32, #tpu.memory_space<hbm>> -> memref<1x1x1x8x128xf32, #tpu.memory_space<hbm>>
      %dma_start3A_375 = tpu.memref_squeeze %dma_start3A_374 : memref<1x1x1x8x128xf32, #tpu.memory_space<hbm>> -> memref<8x128xf32, #tpu.memory_space<hbm>>
      %dma_start3A_376 = arith.constant 0 : i32
      %dma_start3A_377 = arith.constant 0 : i32
      %dma_start3A_378 = tpu.memref_slice %arg4[%add3A_308, %dma_start3A_367, %add3A, %dma_start3A_376, %dma_start3A_377] : memref<50x4x32x8x128xf32, #tpu.memory_space<hbm>> -> memref<1x1x1x8x128xf32, #tpu.memory_space<hbm>>
      %dma_start3A_379 = tpu.memref_squeeze %dma_start3A_378 : memref<1x1x1x8x128xf32, #tpu.memory_space<hbm>> -> memref<8x128xf32, #tpu.memory_space<hbm>>
      %dma_start3A_380 = arith.constant 16 : i32
      %dma_start3A_381 = arith.constant 0 : i32
      %dma_start3A_382 = tpu.memref_slice %arg7[%dma_start3A_366, %dma_start3A_380, %dma_start3A_381] : memref<2x32x128xf32, #tpu.memory_space<vmem>> -> memref<1x8x128xf32, #tpu.memory_space<vmem>>
      %dma_start3A_383 = tpu.memref_squeeze %dma_start3A_382 : memref<1x8x128xf32, #tpu.memory_space<vmem>> -> memref<8x128xf32, #tpu.memory_space<vmem>>
      tpu.enqueue_dma source(%dma_start3A_383 : memref<8x128xf32, #tpu.memory_space<vmem>>) target(%dma_start3A_379 : memref<8x128xf32, #tpu.memory_space<hbm>>) target_semaphore(%arg11 : memref<!tpu.dma_semaphore, #tpu.memory_space<semaphore_mem>>)
      %dma_start3A_384 = arith.constant 1 : i32
      %dma_start3A_385 = arith.constant 3 : i32
      %dma_start3A_386 = arith.constant 24 : i32
      %dma_start3A_387 = arith.constant 0 : i32
      %dma_start3A_388 = tpu.memref_slice %arg7[%dma_start3A_384, %dma_start3A_386, %dma_start3A_387] : memref<2x32x128xf32, #tpu.memory_space<vmem>> -> memref<1x8x128xf32, #tpu.memory_space<vmem>>
      %dma_start3A_389 = tpu.memref_squeeze %dma_start3A_388 : memref<1x8x128xf32, #tpu.memory_space<vmem>> -> memref<8x128xf32, #tpu.memory_space<vmem>>
      %dma_start3A_390 = arith.constant 0 : i32
      %dma_start3A_391 = arith.constant 0 : i32
      %dma_start3A_392 = tpu.memref_slice %arg4[%add3A_308, %dma_start3A_385, %add3A, %dma_start3A_390, %dma_start3A_391] : memref<50x4x32x8x128xf32, #tpu.memory_space<hbm>> -> memref<1x1x1x8x128xf32, #tpu.memory_space<hbm>>
      %dma_start3A_393 = tpu.memref_squeeze %dma_start3A_392 : memref<1x1x1x8x128xf32, #tpu.memory_space<hbm>> -> memref<8x128xf32, #tpu.memory_space<hbm>>
      %dma_start3A_394 = arith.constant 0 : i32
      %dma_start3A_395 = arith.constant 0 : i32
      %dma_start3A_396 = tpu.memref_slice %arg4[%add3A_308, %dma_start3A_385, %add3A, %dma_start3A_394, %dma_start3A_395] : memref<50x4x32x8x128xf32, #tpu.memory_space<hbm>> -> memref<1x1x1x8x128xf32, #tpu.memory_space<hbm>>
      %dma_start3A_397 = tpu.memref_squeeze %dma_start3A_396 : memref<1x1x1x8x128xf32, #tpu.memory_space<hbm>> -> memref<8x128xf32, #tpu.memory_space<hbm>>
      %dma_start3A_398 = arith.constant 24 : i32
      %dma_start3A_399 = arith.constant 0 : i32
      %dma_start3A_400 = tpu.memref_slice %arg7[%dma_start3A_384, %dma_start3A_398, %dma_start3A_399] : memref<2x32x128xf32, #tpu.memory_space<vmem>> -> memref<1x8x128xf32, #tpu.memory_space<vmem>>
      %dma_start3A_401 = tpu.memref_squeeze %dma_start3A_400 : memref<1x8x128xf32, #tpu.memory_space<vmem>> -> memref<8x128xf32, #tpu.memory_space<vmem>>
      tpu.enqueue_dma source(%dma_start3A_401 : memref<8x128xf32, #tpu.memory_space<vmem>>) target(%dma_start3A_397 : memref<8x128xf32, #tpu.memory_space<hbm>>) target_semaphore(%arg11 : memref<!tpu.dma_semaphore, #tpu.memory_space<semaphore_mem>>)
      %add3A_402 = arith.constant 2 : i32
      %add3A_403 = arith.addi %add3A_308, %add3A_402 : i32
      %lt3A_404 = arith.constant 50 : i32
      %lt3A_405 = arith.cmpi slt, %add3A_403, %lt3A_404 : i32
      %convert_element_type3A_406 = arith.extui %lt3A_405 : i1 to i32
      %cond3A_407 = arith.constant 0 : i32
      %cond3A_408 = arith.cmpi ne, %convert_element_type3A_406, %cond3A_407 : i32
      scf.if %cond3A_408 {
        %add3A_409 = arith.constant 2 : i32
        %add3A_410 = arith.addi %add3A_308, %add3A_409 : i32
        %dma_start3A_411 = arith.constant 1 : i32
        %dma_start3A_412 = arith.constant 0 : i32
        %dma_start3A_413 = arith.constant 0 : i32
        %dma_start3A_414 = tpu.memref_slice %arg6[%dma_start3A_411, %dma_start3A_412, %dma_start3A_413] : memref<2x128x128xf32, #tpu.memory_space<vmem>> -> memref<1x128x128xf32, #tpu.memory_space<vmem>>
        %dma_start3A_415 = tpu.memref_squeeze %dma_start3A_414 : memref<1x128x128xf32, #tpu.memory_space<vmem>> -> memref<128x128xf32, #tpu.memory_space<vmem>>
        %dma_start3A_416 = arith.constant 0 : i32
        %dma_start3A_417 = tpu.memref_slice %arg5[%add3A_410, %dma_start3A_416] : memref<50x128xi32, #tpu.memory_space<vmem>> -> memref<1x128xi32, #tpu.memory_space<vmem>>
        %dma_start3A_418 = tpu.memref_squeeze %dma_start3A_417 : memref<1x128xi32, #tpu.memory_space<vmem>> -> memref<128xi32, #tpu.memory_space<vmem>>
        %dma_start3A_419 = arith.constant 0 : i32
        %dma_start3A_420 = arith.constant 0 : i32
        %dma_start3A_421 = tpu.memref_slice %arg3[%dma_start3A_419, %dma_start3A_420] : memref<1000000x128xf32, #tpu.memory_space<hbm>> -> memref<1000000x128xf32, #tpu.memory_space<hbm>>
        tpu.enqueue_indirect_dma source(%dma_start3A_421 : memref<1000000x128xf32, #tpu.memory_space<hbm>>) target(%dma_start3A_415 : memref<128x128xf32, #tpu.memory_space<vmem>>) offsets(%dma_start3A_418 : memref<128xi32, #tpu.memory_space<vmem>>) semaphore(%arg9 : memref<!tpu.dma_semaphore, #tpu.memory_space<semaphore_mem>>)
      } else {
      }
    }
    %scan3A_53 = arith.constant 25 : i32
    %dma_wait3A = arith.constant 0 : i32
    %dma_wait3A_54 = arith.constant 0 : i32
    %dma_wait3A_55 = arith.constant 0 : i32
    %dma_wait3A_56 = arith.constant 0 : i32
    %dma_wait3A_57 = arith.constant 0 : i32
    %dma_wait3A_58 = tpu.memref_slice %arg7[%dma_wait3A, %dma_wait3A_56, %dma_wait3A_57] : memref<2x32x128xf32, #tpu.memory_space<vmem>> -> memref<1x8x128xf32, #tpu.memory_space<vmem>>
    %dma_wait3A_59 = tpu.memref_squeeze %dma_wait3A_58 : memref<1x8x128xf32, #tpu.memory_space<vmem>> -> memref<8x128xf32, #tpu.memory_space<vmem>>
    %dma_wait3A_60 = arith.constant 0 : i32
    %dma_wait3A_61 = arith.constant 0 : i32
    %dma_wait3A_62 = tpu.memref_slice %arg4[%dma_wait3A_54, %dma_wait3A_55, %add3A, %dma_wait3A_60, %dma_wait3A_61] : memref<50x4x32x8x128xf32, #tpu.memory_space<hbm>> -> memref<1x1x1x8x128xf32, #tpu.memory_space<hbm>>
    %dma_wait3A_63 = tpu.memref_squeeze %dma_wait3A_62 : memref<1x1x1x8x128xf32, #tpu.memory_space<hbm>> -> memref<8x128xf32, #tpu.memory_space<hbm>>
    %dma_wait3A_64 = arith.constant 0 : i32
    %dma_wait3A_65 = arith.constant 0 : i32
    %dma_wait3A_66 = tpu.memref_slice %arg4[%dma_wait3A_54, %dma_wait3A_55, %add3A, %dma_wait3A_64, %dma_wait3A_65] : memref<50x4x32x8x128xf32, #tpu.memory_space<hbm>> -> memref<1x1x1x8x128xf32, #tpu.memory_space<hbm>>
    %dma_wait3A_67 = tpu.memref_squeeze %dma_wait3A_66 : memref<1x1x1x8x128xf32, #tpu.memory_space<hbm>> -> memref<8x128xf32, #tpu.memory_space<hbm>>
    %dma_wait3A_68 = arith.constant 0 : i32
    %dma_wait3A_69 = arith.constant 0 : i32
    %dma_wait3A_70 = tpu.memref_slice %arg7[%dma_wait3A, %dma_wait3A_68, %dma_wait3A_69] : memref<2x32x128xf32, #tpu.memory_space<vmem>> -> memref<1x8x128xf32, #tpu.memory_space<vmem>>
    %dma_wait3A_71 = tpu.memref_squeeze %dma_wait3A_70 : memref<1x8x128xf32, #tpu.memory_space<vmem>> -> memref<8x128xf32, #tpu.memory_space<vmem>>
    tpu.wait_dma2 semaphore(%arg10 : memref<!tpu.dma_semaphore, #tpu.memory_space<semaphore_mem>>) src(%dma_wait3A_71 : memref<8x128xf32, #tpu.memory_space<vmem>>) dst(%dma_wait3A_67 : memref<8x128xf32, #tpu.memory_space<hbm>>)
    %dma_wait3A_72 = arith.constant 0 : i32
    %dma_wait3A_73 = arith.constant 0 : i32
    %dma_wait3A_74 = arith.constant 1 : i32
    %dma_wait3A_75 = arith.constant 8 : i32
    %dma_wait3A_76 = arith.constant 0 : i32
    %dma_wait3A_77 = tpu.memref_slice %arg7[%dma_wait3A_72, %dma_wait3A_75, %dma_wait3A_76] : memref<2x32x128xf32, #tpu.memory_space<vmem>> -> memref<1x8x128xf32, #tpu.memory_space<vmem>>
    %dma_wait3A_78 = tpu.memref_squeeze %dma_wait3A_77 : memref<1x8x128xf32, #tpu.memory_space<vmem>> -> memref<8x128xf32, #tpu.memory_space<vmem>>
    %dma_wait3A_79 = arith.constant 0 : i32
    %dma_wait3A_80 = arith.constant 0 : i32
    %dma_wait3A_81 = tpu.memref_slice %arg4[%dma_wait3A_73, %dma_wait3A_74, %add3A, %dma_wait3A_79, %dma_wait3A_80] : memref<50x4x32x8x128xf32, #tpu.memory_space<hbm>> -> memref<1x1x1x8x128xf32, #tpu.memory_space<hbm>>
    %dma_wait3A_82 = tpu.memref_squeeze %dma_wait3A_81 : memref<1x1x1x8x128xf32, #tpu.memory_space<hbm>> -> memref<8x128xf32, #tpu.memory_space<hbm>>
    %dma_wait3A_83 = arith.constant 0 : i32
    %dma_wait3A_84 = arith.constant 0 : i32
    %dma_wait3A_85 = tpu.memref_slice %arg4[%dma_wait3A_73, %dma_wait3A_74, %add3A, %dma_wait3A_83, %dma_wait3A_84] : memref<50x4x32x8x128xf32, #tpu.memory_space<hbm>> -> memref<1x1x1x8x128xf32, #tpu.memory_space<hbm>>
    %dma_wait3A_86 = tpu.memref_squeeze %dma_wait3A_85 : memref<1x1x1x8x128xf32, #tpu.memory_space<hbm>> -> memref<8x128xf32, #tpu.memory_space<hbm>>
    %dma_wait3A_87 = arith.constant 8 : i32
    %dma_wait3A_88 = arith.constant 0 : i32
    %dma_wait3A_89 = tpu.memref_slice %arg7[%dma_wait3A_72, %dma_wait3A_87, %dma_wait3A_88] : memref<2x32x128xf32, #tpu.memory_space<vmem>> -> memref<1x8x128xf32, #tpu.memory_space<vmem>>
    %dma_wait3A_90 = tpu.memref_squeeze %dma_wait3A_89 : memref<1x8x128xf32, #tpu.memory_space<vmem>> -> memref<8x128xf32, #tpu.memory_space<vmem>>
    tpu.wait_dma2 semaphore(%arg10 : memref<!tpu.dma_semaphore, #tpu.memory_space<semaphore_mem>>) src(%dma_wait3A_90 : memref<8x128xf32, #tpu.memory_space<vmem>>) dst(%dma_wait3A_86 : memref<8x128xf32, #tpu.memory_space<hbm>>)
    %dma_wait3A_91 = arith.constant 0 : i32
    %dma_wait3A_92 = arith.constant 0 : i32
    %dma_wait3A_93 = arith.constant 2 : i32
    %dma_wait3A_94 = arith.constant 16 : i32
    %dma_wait3A_95 = arith.constant 0 : i32
    %dma_wait3A_96 = tpu.memref_slice %arg7[%dma_wait3A_91, %dma_wait3A_94, %dma_wait3A_95] : memref<2x32x128xf32, #tpu.memory_space<vmem>> -> memref<1x8x128xf32, #tpu.memory_space<vmem>>
    %dma_wait3A_97 = tpu.memref_squeeze %dma_wait3A_96 : memref<1x8x128xf32, #tpu.memory_space<vmem>> -> memref<8x128xf32, #tpu.memory_space<vmem>>
    %dma_wait3A_98 = arith.constant 0 : i32
    %dma_wait3A_99 = arith.constant 0 : i32
    %dma_wait3A_100 = tpu.memref_slice %arg4[%dma_wait3A_92, %dma_wait3A_93, %add3A, %dma_wait3A_98, %dma_wait3A_99] : memref<50x4x32x8x128xf32, #tpu.memory_space<hbm>> -> memref<1x1x1x8x128xf32, #tpu.memory_space<hbm>>
    %dma_wait3A_101 = tpu.memref_squeeze %dma_wait3A_100 : memref<1x1x1x8x128xf32, #tpu.memory_space<hbm>> -> memref<8x128xf32, #tpu.memory_space<hbm>>
    %dma_wait3A_102 = arith.constant 0 : i32
    %dma_wait3A_103 = arith.constant 0 : i32
    %dma_wait3A_104 = tpu.memref_slice %arg4[%dma_wait3A_92, %dma_wait3A_93, %add3A, %dma_wait3A_102, %dma_wait3A_103] : memref<50x4x32x8x128xf32, #tpu.memory_space<hbm>> -> memref<1x1x1x8x128xf32, #tpu.memory_space<hbm>>
    %dma_wait3A_105 = tpu.memref_squeeze %dma_wait3A_104 : memref<1x1x1x8x128xf32, #tpu.memory_space<hbm>> -> memref<8x128xf32, #tpu.memory_space<hbm>>
    %dma_wait3A_106 = arith.constant 16 : i32
    %dma_wait3A_107 = arith.constant 0 : i32
    %dma_wait3A_108 = tpu.memref_slice %arg7[%dma_wait3A_91, %dma_wait3A_106, %dma_wait3A_107] : memref<2x32x128xf32, #tpu.memory_space<vmem>> -> memref<1x8x128xf32, #tpu.memory_space<vmem>>
    %dma_wait3A_109 = tpu.memref_squeeze %dma_wait3A_108 : memref<1x8x128xf32, #tpu.memory_space<vmem>> -> memref<8x128xf32, #tpu.memory_space<vmem>>
    tpu.wait_dma2 semaphore(%arg10 : memref<!tpu.dma_semaphore, #tpu.memory_space<semaphore_mem>>) src(%dma_wait3A_109 : memref<8x128xf32, #tpu.memory_space<vmem>>) dst(%dma_wait3A_105 : memref<8x128xf32, #tpu.memory_space<hbm>>)
    %dma_wait3A_110 = arith.constant 0 : i32
    %dma_wait3A_111 = arith.constant 0 : i32
    %dma_wait3A_112 = arith.constant 3 : i32
    %dma_wait3A_113 = arith.constant 24 : i32
    %dma_wait3A_114 = arith.constant 0 : i32
    %dma_wait3A_115 = tpu.memref_slice %arg7[%dma_wait3A_110, %dma_wait3A_113, %dma_wait3A_114] : memref<2x32x128xf32, #tpu.memory_space<vmem>> -> memref<1x8x128xf32, #tpu.memory_space<vmem>>
    %dma_wait3A_116 = tpu.memref_squeeze %dma_wait3A_115 : memref<1x8x128xf32, #tpu.memory_space<vmem>> -> memref<8x128xf32, #tpu.memory_space<vmem>>
    %dma_wait3A_117 = arith.constant 0 : i32
    %dma_wait3A_118 = arith.constant 0 : i32
    %dma_wait3A_119 = tpu.memref_slice %arg4[%dma_wait3A_111, %dma_wait3A_112, %add3A, %dma_wait3A_117, %dma_wait3A_118] : memref<50x4x32x8x128xf32, #tpu.memory_space<hbm>> -> memref<1x1x1x8x128xf32, #tpu.memory_space<hbm>>
    %dma_wait3A_120 = tpu.memref_squeeze %dma_wait3A_119 : memref<1x1x1x8x128xf32, #tpu.memory_space<hbm>> -> memref<8x128xf32, #tpu.memory_space<hbm>>
    %dma_wait3A_121 = arith.constant 0 : i32
    %dma_wait3A_122 = arith.constant 0 : i32
    %dma_wait3A_123 = tpu.memref_slice %arg4[%dma_wait3A_111, %dma_wait3A_112, %add3A, %dma_wait3A_121, %dma_wait3A_122] : memref<50x4x32x8x128xf32, #tpu.memory_space<hbm>> -> memref<1x1x1x8x128xf32, #tpu.memory_space<hbm>>
    %dma_wait3A_124 = tpu.memref_squeeze %dma_wait3A_123 : memref<1x1x1x8x128xf32, #tpu.memory_space<hbm>> -> memref<8x128xf32, #tpu.memory_space<hbm>>
    %dma_wait3A_125 = arith.constant 24 : i32
    %dma_wait3A_126 = arith.constant 0 : i32
    %dma_wait3A_127 = tpu.memref_slice %arg7[%dma_wait3A_110, %dma_wait3A_125, %dma_wait3A_126] : memref<2x32x128xf32, #tpu.memory_space<vmem>> -> memref<1x8x128xf32, #tpu.memory_space<vmem>>
    %dma_wait3A_128 = tpu.memref_squeeze %dma_wait3A_127 : memref<1x8x128xf32, #tpu.memory_space<vmem>> -> memref<8x128xf32, #tpu.memory_space<vmem>>
    tpu.wait_dma2 semaphore(%arg10 : memref<!tpu.dma_semaphore, #tpu.memory_space<semaphore_mem>>) src(%dma_wait3A_128 : memref<8x128xf32, #tpu.memory_space<vmem>>) dst(%dma_wait3A_124 : memref<8x128xf32, #tpu.memory_space<hbm>>)
    %dma_wait3A_129 = arith.constant 1 : i32
    %dma_wait3A_130 = arith.constant 0 : i32
    %dma_wait3A_131 = arith.constant 0 : i32
    %dma_wait3A_132 = arith.constant 0 : i32
    %dma_wait3A_133 = arith.constant 0 : i32
    %dma_wait3A_134 = tpu.memref_slice %arg7[%dma_wait3A_129, %dma_wait3A_132, %dma_wait3A_133] : memref<2x32x128xf32, #tpu.memory_space<vmem>> -> memref<1x8x128xf32, #tpu.memory_space<vmem>>
    %dma_wait3A_135 = tpu.memref_squeeze %dma_wait3A_134 : memref<1x8x128xf32, #tpu.memory_space<vmem>> -> memref<8x128xf32, #tpu.memory_space<vmem>>
    %dma_wait3A_136 = arith.constant 0 : i32
    %dma_wait3A_137 = arith.constant 0 : i32
    %dma_wait3A_138 = tpu.memref_slice %arg4[%dma_wait3A_130, %dma_wait3A_131, %add3A, %dma_wait3A_136, %dma_wait3A_137] : memref<50x4x32x8x128xf32, #tpu.memory_space<hbm>> -> memref<1x1x1x8x128xf32, #tpu.memory_space<hbm>>
    %dma_wait3A_139 = tpu.memref_squeeze %dma_wait3A_138 : memref<1x1x1x8x128xf32, #tpu.memory_space<hbm>> -> memref<8x128xf32, #tpu.memory_space<hbm>>
    %dma_wait3A_140 = arith.constant 0 : i32
    %dma_wait3A_141 = arith.constant 0 : i32
    %dma_wait3A_142 = tpu.memref_slice %arg4[%dma_wait3A_130, %dma_wait3A_131, %add3A, %dma_wait3A_140, %dma_wait3A_141] : memref<50x4x32x8x128xf32, #tpu.memory_space<hbm>> -> memref<1x1x1x8x128xf32, #tpu.memory_space<hbm>>
    %dma_wait3A_143 = tpu.memref_squeeze %dma_wait3A_142 : memref<1x1x1x8x128xf32, #tpu.memory_space<hbm>> -> memref<8x128xf32, #tpu.memory_space<hbm>>
    %dma_wait3A_144 = arith.constant 0 : i32
    %dma_wait3A_145 = arith.constant 0 : i32
    %dma_wait3A_146 = tpu.memref_slice %arg7[%dma_wait3A_129, %dma_wait3A_144, %dma_wait3A_145] : memref<2x32x128xf32, #tpu.memory_space<vmem>> -> memref<1x8x128xf32, #tpu.memory_space<vmem>>
    %dma_wait3A_147 = tpu.memref_squeeze %dma_wait3A_146 : memref<1x8x128xf32, #tpu.memory_space<vmem>> -> memref<8x128xf32, #tpu.memory_space<vmem>>
    tpu.wait_dma2 semaphore(%arg11 : memref<!tpu.dma_semaphore, #tpu.memory_space<semaphore_mem>>) src(%dma_wait3A_147 : memref<8x128xf32, #tpu.memory_space<vmem>>) dst(%dma_wait3A_143 : memref<8x128xf32, #tpu.memory_space<hbm>>)
    %dma_wait3A_148 = arith.constant 1 : i32
    %dma_wait3A_149 = arith.constant 0 : i32
    %dma_wait3A_150 = arith.constant 1 : i32
    %dma_wait3A_151 = arith.constant 8 : i32
    %dma_wait3A_152 = arith.constant 0 : i32
    %dma_wait3A_153 = tpu.memref_slice %arg7[%dma_wait3A_148, %dma_wait3A_151, %dma_wait3A_152] : memref<2x32x128xf32, #tpu.memory_space<vmem>> -> memref<1x8x128xf32, #tpu.memory_space<vmem>>
    %dma_wait3A_154 = tpu.memref_squeeze %dma_wait3A_153 : memref<1x8x128xf32, #tpu.memory_space<vmem>> -> memref<8x128xf32, #tpu.memory_space<vmem>>
    %dma_wait3A_155 = arith.constant 0 : i32
    %dma_wait3A_156 = arith.constant 0 : i32
    %dma_wait3A_157 = tpu.memref_slice %arg4[%dma_wait3A_149, %dma_wait3A_150, %add3A, %dma_wait3A_155, %dma_wait3A_156] : memref<50x4x32x8x128xf32, #tpu.memory_space<hbm>> -> memref<1x1x1x8x128xf32, #tpu.memory_space<hbm>>
    %dma_wait3A_158 = tpu.memref_squeeze %dma_wait3A_157 : memref<1x1x1x8x128xf32, #tpu.memory_space<hbm>> -> memref<8x128xf32, #tpu.memory_space<hbm>>
    %dma_wait3A_159 = arith.constant 0 : i32
    %dma_wait3A_160 = arith.constant 0 : i32
    %dma_wait3A_161 = tpu.memref_slice %arg4[%dma_wait3A_149, %dma_wait3A_150, %add3A, %dma_wait3A_159, %dma_wait3A_160] : memref<50x4x32x8x128xf32, #tpu.memory_space<hbm>> -> memref<1x1x1x8x128xf32, #tpu.memory_space<hbm>>
    %dma_wait3A_162 = tpu.memref_squeeze %dma_wait3A_161 : memref<1x1x1x8x128xf32, #tpu.memory_space<hbm>> -> memref<8x128xf32, #tpu.memory_space<hbm>>
    %dma_wait3A_163 = arith.constant 8 : i32
    %dma_wait3A_164 = arith.constant 0 : i32
    %dma_wait3A_165 = tpu.memref_slice %arg7[%dma_wait3A_148, %dma_wait3A_163, %dma_wait3A_164] : memref<2x32x128xf32, #tpu.memory_space<vmem>> -> memref<1x8x128xf32, #tpu.memory_space<vmem>>
    %dma_wait3A_166 = tpu.memref_squeeze %dma_wait3A_165 : memref<1x8x128xf32, #tpu.memory_space<vmem>> -> memref<8x128xf32, #tpu.memory_space<vmem>>
    tpu.wait_dma2 semaphore(%arg11 : memref<!tpu.dma_semaphore, #tpu.memory_space<semaphore_mem>>) src(%dma_wait3A_166 : memref<8x128xf32, #tpu.memory_space<vmem>>) dst(%dma_wait3A_162 : memref<8x128xf32, #tpu.memory_space<hbm>>)
    %dma_wait3A_167 = arith.constant 1 : i32
    %dma_wait3A_168 = arith.constant 0 : i32
    %dma_wait3A_169 = arith.constant 2 : i32
    %dma_wait3A_170 = arith.constant 16 : i32
    %dma_wait3A_171 = arith.constant 0 : i32
    %dma_wait3A_172 = tpu.memref_slice %arg7[%dma_wait3A_167, %dma_wait3A_170, %dma_wait3A_171] : memref<2x32x128xf32, #tpu.memory_space<vmem>> -> memref<1x8x128xf32, #tpu.memory_space<vmem>>
    %dma_wait3A_173 = tpu.memref_squeeze %dma_wait3A_172 : memref<1x8x128xf32, #tpu.memory_space<vmem>> -> memref<8x128xf32, #tpu.memory_space<vmem>>
    %dma_wait3A_174 = arith.constant 0 : i32
    %dma_wait3A_175 = arith.constant 0 : i32
    %dma_wait3A_176 = tpu.memref_slice %arg4[%dma_wait3A_168, %dma_wait3A_169, %add3A, %dma_wait3A_174, %dma_wait3A_175] : memref<50x4x32x8x128xf32, #tpu.memory_space<hbm>> -> memref<1x1x1x8x128xf32, #tpu.memory_space<hbm>>
    %dma_wait3A_177 = tpu.memref_squeeze %dma_wait3A_176 : memref<1x1x1x8x128xf32, #tpu.memory_space<hbm>> -> memref<8x128xf32, #tpu.memory_space<hbm>>
    %dma_wait3A_178 = arith.constant 0 : i32
    %dma_wait3A_179 = arith.constant 0 : i32
    %dma_wait3A_180 = tpu.memref_slice %arg4[%dma_wait3A_168, %dma_wait3A_169, %add3A, %dma_wait3A_178, %dma_wait3A_179] : memref<50x4x32x8x128xf32, #tpu.memory_space<hbm>> -> memref<1x1x1x8x128xf32, #tpu.memory_space<hbm>>
    %dma_wait3A_181 = tpu.memref_squeeze %dma_wait3A_180 : memref<1x1x1x8x128xf32, #tpu.memory_space<hbm>> -> memref<8x128xf32, #tpu.memory_space<hbm>>
    %dma_wait3A_182 = arith.constant 16 : i32
    %dma_wait3A_183 = arith.constant 0 : i32
    %dma_wait3A_184 = tpu.memref_slice %arg7[%dma_wait3A_167, %dma_wait3A_182, %dma_wait3A_183] : memref<2x32x128xf32, #tpu.memory_space<vmem>> -> memref<1x8x128xf32, #tpu.memory_space<vmem>>
    %dma_wait3A_185 = tpu.memref_squeeze %dma_wait3A_184 : memref<1x8x128xf32, #tpu.memory_space<vmem>> -> memref<8x128xf32, #tpu.memory_space<vmem>>
    tpu.wait_dma2 semaphore(%arg11 : memref<!tpu.dma_semaphore, #tpu.memory_space<semaphore_mem>>) src(%dma_wait3A_185 : memref<8x128xf32, #tpu.memory_space<vmem>>) dst(%dma_wait3A_181 : memref<8x128xf32, #tpu.memory_space<hbm>>)
    %dma_wait3A_186 = arith.constant 1 : i32
    %dma_wait3A_187 = arith.constant 0 : i32
    %dma_wait3A_188 = arith.constant 3 : i32
    %dma_wait3A_189 = arith.constant 24 : i32
    %dma_wait3A_190 = arith.constant 0 : i32
    %dma_wait3A_191 = tpu.memref_slice %arg7[%dma_wait3A_186, %dma_wait3A_189, %dma_wait3A_190] : memref<2x32x128xf32, #tpu.memory_space<vmem>> -> memref<1x8x128xf32, #tpu.memory_space<vmem>>
    %dma_wait3A_192 = tpu.memref_squeeze %dma_wait3A_191 : memref<1x8x128xf32, #tpu.memory_space<vmem>> -> memref<8x128xf32, #tpu.memory_space<vmem>>
    %dma_wait3A_193 = arith.constant 0 : i32
    %dma_wait3A_194 = arith.constant 0 : i32
    %dma_wait3A_195 = tpu.memref_slice %arg4[%dma_wait3A_187, %dma_wait3A_188, %add3A, %dma_wait3A_193, %dma_wait3A_194] : memref<50x4x32x8x128xf32, #tpu.memory_space<hbm>> -> memref<1x1x1x8x128xf32, #tpu.memory_space<hbm>>
    %dma_wait3A_196 = tpu.memref_squeeze %dma_wait3A_195 : memref<1x1x1x8x128xf32, #tpu.memory_space<hbm>> -> memref<8x128xf32, #tpu.memory_space<hbm>>
    %dma_wait3A_197 = arith.constant 0 : i32
    %dma_wait3A_198 = arith.constant 0 : i32
    %dma_wait3A_199 = tpu.memref_slice %arg4[%dma_wait3A_187, %dma_wait3A_188, %add3A, %dma_wait3A_197, %dma_wait3A_198] : memref<50x4x32x8x128xf32, #tpu.memory_space<hbm>> -> memref<1x1x1x8x128xf32, #tpu.memory_space<hbm>>
    %dma_wait3A_200 = tpu.memref_squeeze %dma_wait3A_199 : memref<1x1x1x8x128xf32, #tpu.memory_space<hbm>> -> memref<8x128xf32, #tpu.memory_space<hbm>>
    %dma_wait3A_201 = arith.constant 24 : i32
    %dma_wait3A_202 = arith.constant 0 : i32
    %dma_wait3A_203 = tpu.memref_slice %arg7[%dma_wait3A_186, %dma_wait3A_201, %dma_wait3A_202] : memref<2x32x128xf32, #tpu.memory_space<vmem>> -> memref<1x8x128xf32, #tpu.memory_space<vmem>>
    %dma_wait3A_204 = tpu.memref_squeeze %dma_wait3A_203 : memref<1x8x128xf32, #tpu.memory_space<vmem>> -> memref<8x128xf32, #tpu.memory_space<vmem>>
    tpu.wait_dma2 semaphore(%arg11 : memref<!tpu.dma_semaphore, #tpu.memory_space<semaphore_mem>>) src(%dma_wait3A_204 : memref<8x128xf32, #tpu.memory_space<vmem>>) dst(%dma_wait3A_200 : memref<8x128xf32, #tpu.memory_space<hbm>>)
    return
  }
}

module attributes {stable_mosaic.version = 14 : i64} {
  func.func @_tr_body(%arg0: i32, %arg1: memref<32x16384xf32, #tpu.memory_space<vmem>>, %arg2: memref<16384x128xf32, #tpu.memory_space<vmem>>) attributes {dimension_semantics = [#tpu.dimension_semantics<arbitrary>], iteration_bounds = array<i64: 62>, scalar_prefetch = 0 : i64, scratch_operands = 0 : i64, tpu.core_type = #tpu.core_type<tc>, window_params = [{transform_indices = @transform_0, window_bounds = array<i64: 32, 16384>}, {transform_indices = @transform_1, window_bounds = array<i64: 16384, 128>}]} {
    %get3A = arith.constant 0 : index
    %get3A_0 = arith.constant 0 : index
    %get3A_1 = vector.load %arg1[%get3A, %get3A_0] : memref<32x16384xf32, #tpu.memory_space<vmem>>, vector<32x16384xf32>
    %transpose3A = tpu.transpose %get3A_1, [1, 0] : vector<32x16384xf32> -> vector<16384x32xf32>
    %swap3A = arith.constant 0 : index
    %swap3A_2 = arith.constant 0 : index
    %swap3A_3 = vector.load %arg2[%swap3A, %swap3A_2] : memref<16384x128xf32, #tpu.memory_space<vmem>>, vector<16384x32xf32>
    tpu.vector_store %arg2[%swap3A, %swap3A_2], %transpose3A {strides = array<i32>} : memref<16384x128xf32, #tpu.memory_space<vmem>>, vector<16384x32xf32>,
    return
  }
  func.func @transform_0(%arg0: i32) -> (i32, i32) {
    %c0_i32 = arith.constant 0 : i32
    %c0_i32_0 = arith.constant 0 : i32
    return %c0_i32, %arg0 : i32, i32
  }
  func.func @transform_1(%arg0: i32) -> (i32, i32) {
    %c0_i32 = arith.constant 0 : i32
    %c0_i32_0 = arith.constant 0 : i32
    return %arg0, %c0_i32 : i32, i32
  }
}

</mosaic_0001>

<sc_bundles>
// kernel: _run.4.cloned.1.call-start
scs
__scs_entry_jumppad:
0x0: {  	(pc) =	sbr.rel $0x88, $3  }
0x1: {  	(tag) =	ssettag $0x0;
	lr =	simm.s32 $0x1  }
0x2: {  	[smem:$0x3F9F] =	sst lr;
	_ =	strace $0xD0000000  }
0x3: {  	_ = 	snop  }
0x4: {  	_ = 	snop  }
0x5: {  	_ = 	snop  }
0x6: {  	_ = 	snop  }
0x7: {  	_ = 	snop  }
__scs_overlays_trampoline_lowered:
0x8: {  	[smem:$0x3FAE] =	sst s0  }
0x9: {  	[smem:$0x3FAF] =	sst s1  }
0xa: {  	[smem:$0x3FB0] =	sst s2  }
0xb: {  	[smem:$0x3FB1] =	sst s3  }
0xc: {  	[smem:$0x3FB2] =	sst s4  }
0xd: {  	[smem:$0x3FB3] =	sst s5  }
0xe: {  	[smem:$0x3FB4] =	sst s6  }
0xf: {  	[smem:$0x3FB5] =	sst s7  }
0x10: {  	[smem:$0x3FB6] =	sst s8  }
0x11: {  	[smem:$0x3FB7] =	sst s9;
	s0 =	simm.s32 @!p0 $0x0  }
0x12: {  	s1 =	sld [smem:$0x3F9D];
	s0 =	simm.s32 @p0 $0x1  }
0x13: {  	[smem:$0x3FB8] =	sst s0;
	s0 =	simm.s32 @!p1 $0x0  }
0x14: {  	s2 =	sld [smem:$0x3F9C];
	s0 =	simm.s32 @p1 $0x1  }
0x15: {  	[smem:$0x3FB9] =	sst s0;
	s0 =	simm.s32 @!p2 $0x0  }
0x16: {  	s3 =	sld [smem:$0x3FDB];
	s0 =	simm.s32 @p2 $0x1  }
0x17: {  	s4 =	simm.s32 $0x1BF5;
	[smem:$0x3FBB] =	sst s0  }
0x18: {  	s0 =	sld [smem:$0x3F9E];
	_ =	swait.ge [sflag:s4], $0x0  }
0x19: {  	s7 =	sld [smem:$0x3F9F]  }
0x1a: {  	s8 =	sadd.s32 $0xFFFFE003, lr  }
0x1b: {  	s9 =	sadd.s32 $0xFFFFFEF7, lr;
	s5 =	simm.s32 $0xFFFFFFFF;
	p2 =	slt.u32 s8, $0xFFFFF086  }
0x1c: {  	p1 =	slt.u32 s9, $0xF7A;
	s5 =	simm.s32 @!p2 $0x0  }
0x1d: {  	s5 =	simm.s32 @p1 $0x1;
	p0 =	seq.s32 s7, s2  }
0x1e: {  	s7 =	smul.u32 @!p0 $0xF7A, s2;
	p2 =	seq.s32 @!p0 s5, $0x0  }
0x1f: {  	s9 =	smul.u32 $0xF7A, s1;
	s8 =	simm.s32 @!p0 $0x1BF5;
	p2 =	por !p2, p0  }
0x20: {  	[sflag:s8] =	ssyncset.s32 @!p0 $0xFFFFF086;
	s6 =	sadd.s32 @!p0 s3, s7;
	s7 =	simm.s32 @!p0 $0x108  }
0x21: {  	s3 =	sadd.s32 s3, s9;
	s6 =	sadd.s32 @!p0 $0x88, s6;
	s7 =	simm.s32 @p2 $0x1082  }
0x22: {  	[simem:s7], [sflag:s8] =	dma.local @!p0 [hbm:s6], $0xF7A  }
0x23: {  	s9 =	sor.u32 $0xD0000000, s2;
	s6 =	simm.s32 $0x108;
	_ =	swait.ge @!p0 [sflag:s8], $0x0  }
0x24: {  	s3 =	sadd.s32 $0x88, s3;
	s6 =	simm.s32 @!p1 $0x1082;
	[sflag:s4] =	ssyncset.s32 $0xFFFFF086  }
0x25: {  	[simem:s6], [sflag:s4] =	dma.local [hbm:s3], $0xF7A  }
0x26: {  	[smem:$0x3F9F] =	sst s1;
	(tag) =	ssettag s2;
	_ =	strace s9  }
0x27: {  	s1 =	sld [smem:$0x3FAF]  }
0x28: {  	s2 =	sld [smem:$0x3FB0]  }
0x29: {  	s4 =	sld [smem:$0x3FB2]  }
0x2a: {  	p0 =	seq.s32 s5, $0x0;
	s5 =	sld [smem:$0x3FB3]  }
0x2b: {  	s6 =	sld [smem:$0x3FB4]  }
0x2c: {  	s7 =	sld [smem:$0x3FB5]  }
0x2d: {  	s3 =	simm.s32 $0x108;
	s8 =	sld [smem:$0x3FB6]  }
0x2e: {  	s3 =	simm.s32 @!p0 $0x1082;
	s9 =	sld [smem:$0x3FB7]  }
0x2f: {  	lr =	sadd.s32 s0, s3;
	s0 =	sld [smem:$0x3FAE]  }
0x30: {  	s3 =	sld [smem:$0x3FB1]  }
0x31: {  	[smem:$0x3FBA] =	sst s10  }
0x32: {  	s10 =	sld [smem:$0x3FB8];
	_ =	sdelay $0x3  }
0x33: {  	p0 =	seq.s32 s10, $0x1;
	s10 =	sld [smem:$0x3FBA];
	_ =	sdelay $0x3  }
0x34: {  	[smem:$0x3FBA] =	sst s10  }
0x35: {  	s10 =	sld [smem:$0x3FB9];
	_ =	sdelay $0x3  }
0x36: {  	p1 =	seq.s32 s10, $0x1;
	s10 =	sld [smem:$0x3FBA];
	_ =	sdelay $0x3  }
0x37: {  	[smem:$0x3FBA] =	sst s10  }
0x38: {  	s10 =	sld [smem:$0x3FBB]  }
0x39: {  	_ = 	snop;
	(pc) =	sbr.ind lr, $3  }
0x3a: {  	_ = 	snop  }
0x3b: {  	_ = 	snop  }
0x3c: {  	p2 =	seq.s32 s10, $0x1;
	s10 =	sld [smem:$0x3FBA]  }
0x3d: {  	_ =	shalt  }
0x3e: {  	_ =	shalt  }
0x3f: {  	_ =	shalt  }
0x40: {  	_ =	shalt  }
0x41: {  	_ =	shalt  }
0x42: {  	_ =	shalt  }
0x43: {  	_ =	shalt  }
0x44: {  	_ =	shalt  }
0x45: {  	_ =	shalt  }
0x46: {  	_ =	shalt  }
0x47: {  	_ =	shalt  }
0x48: {  	_ =	shalt  }
0x49: {  	_ =	shalt  }
0x4a: {  	_ =	shalt  }
0x4b: {  	_ =	shalt  }
0x4c: {  	_ =	shalt  }
0x4d: {  	_ =	shalt  }
0x4e: {  	_ =	shalt  }
0x4f: {  	_ =	shalt  }
0x50: {  	_ =	shalt  }
0x51: {  	_ =	shalt  }
0x52: {  	_ =	shalt  }
0x53: {  	_ =	shalt  }
0x54: {  	_ =	shalt  }
0x55: {  	_ =	shalt  }
0x56: {  	_ =	shalt  }
0x57: {  	_ =	shalt  }
0x58: {  	_ =	shalt  }
0x59: {  	_ =	shalt  }
0x5a: {  	_ =	shalt  }
0x5b: {  	_ =	shalt  }
0x5c: {  	_ =	shalt  }
0x5d: {  	_ =	shalt  }
0x5e: {  	_ =	shalt  }
0x5f: {  	_ =	shalt  }
0x60: {  	_ =	shalt  }
0x61: {  	_ =	shalt  }
0x62: {  	_ =	shalt  }
0x63: {  	_ =	shalt  }
0x64: {  	_ =	shalt  }
0x65: {  	_ =	shalt  }
0x66: {  	_ =	shalt  }
0x67: {  	_ =	shalt  }
0x68: {  	_ =	shalt  }
0x69: {  	_ =	shalt  }
0x6a: {  	_ =	shalt  }
0x6b: {  	_ =	shalt  }
0x6c: {  	_ =	shalt  }
0x6d: {  	_ =	shalt  }
0x6e: {  	_ =	shalt  }
0x6f: {  	_ =	shalt  }
0x70: {  	_ =	shalt  }
0x71: {  	_ =	shalt  }
0x72: {  	_ =	shalt  }
0x73: {  	_ =	shalt  }
0x74: {  	_ =	shalt  }
0x75: {  	_ =	shalt  }
0x76: {  	_ =	shalt  }
0x77: {  	_ =	shalt  }
0x78: {  	_ =	shalt  }
0x79: {  	_ =	shalt  }
0x7a: {  	_ =	shalt  }
0x7b: {  	_ =	shalt  }
0x7c: {  	_ =	shalt  }
0x7d: {  	_ =	shalt  }
0x7e: {  	_ =	shalt  }
0x7f: {  	_ =	shalt  }
0x80: {  	_ =	shalt  }
0x81: {  	_ =	shalt  }
0x82: {  	_ =	shalt  }
0x83: {  	_ =	shalt  }
0x84: {  	_ =	shalt  }
0x85: {  	_ =	shalt  }
0x86: {  	_ =	shalt  }
0x87: {  	_ =	shalt  }
.Lfunc_end0:
.L_simem_size_0:
called_computation_lowered:
.L_overlay_start_0:
0x88: {  	s2 =	sld [smem:$0x3FD9]  }
0x89: {  	s3 =	sld [smem:$0x3FFE];
	_ =	sdelay $0x1  }
0x8a: {  	s1 =	srdreg.scid  }
0x8b: {  	s0 =	sand.u32 $0x1, s1  }
0x8c: {  	s17 =	sshll.u32 s0, $0xA;
	s2 =	sadd.s32 s3, s2  }
0x8d: {  	s2 =	sadd.s32 s2, s17  }
0x8e: {  	[smem:$0x3FC6] =	sst s2  }
0x8f: {  	_ = 	snop  }
0x90: {  	s2 =	sld [smem:$0x3FD0];
	(tm) =	ssettm $0x1  }
0x91: {  	s18 =	sld [smem:$0x3FFB];
	_ =	sdelay $0x3  }
0x92: {  	_ =	strace s18  }
0x93: {  	s3 =	sld [smem:$0x3FFC];
	_ =	sdelay $0x3  }
0x94: {  	_ =	strace s3  }
0x95: {  	s3 =	sld [smem:$0x3FFD];
	_ =	sdelay $0x3  }
0x96: {  	_ =	strace s3  }
0x97: {  	_ =	strace $0x8FFFFFFF  }
0x98: {  	s19 =	sld [smem:$0x3FDB];
	_ =	sdelay $0x1  }
0x99: {  	s4 =	simm.s32 $_scs_section_size  }
0x9a: {  	s5 =	simm.s32 $_size__tile_overlayer_lowered;
	s6 =	simm.s32 $_tile_overlayer_lowered  }
0x9b: {  	s22 =	simm.s32 $0x1BFF;
	s21 =	sshll.u32 s6, $0x1;
	s3 =	sadd.s32 s4, s19  }
0x9c: {  	s7 =	simm.s32 $0x0;
	s20 =	sshll.u32 s5, $0x1;
	s5 =	sadd.s32 s21, s3  }
0x9d: {  	[timem:s7], [sflag:s22] =	dma.local [hbm:s5], s20  }
0x9e: {  	_ =	swait.ge [sflag:s22], s20  }
0x9f: {  	s4 =	ssub.s32 $0x0, s20;
	[sflag:s22] =	ssyncset.done $0x0  }
0xa0: {  	[sflag:s22] =	ssyncadd.s32 s4;
	_ =	sdelay $0x1  }
0xa1: {  	s23 =	simm.s32 $0x1B8B  }
0xa2: {  	_ =	swait.ge [sflag:s23], $0x1  }
0xa3: {  	[sflag:s23] =	ssyncset.done $0x0  }
0xa4: {  	s25 =	simm.s32 $0x1B8E;
	s24 =	sld [smem:$0x3FFE];
	[sflag:s23] =	ssyncadd.s32 $0xFFFFFFFF  }
0xa5: {  	s26 =	simm.s32 $execute0_lowered;
	[smem:$0x3FD2] =	sst s25  }
0xa6: {  	s5 =	sshll.u32 s26, $0x1;
	_ =	strace $0x80000046;
	[dreg:$0x1] =	wrdreg $0xFFFFFFFF  }
0xa7: {  	s28 =	simm.s32 $_size_execute0_lowered;
	s3 =	sadd.s32 s3, s5;
	[dreg:$0x0] =	wrdreg $0x0  }
0xa8: {  	s5 =	sshll.u32 s28, $0x1;
	[dreg:$0x2] =	wrdreg s3  }
0xa9: {  	[dreg:$0x3] =	wrdreg s5  }
0xaa: {  	[dreg:$0x4] =	wrdreg $0xC0  }
0xab: {  	_ =	task [dreg:s7], $0x5FFFF  }
0xac: {  	[dreg:$0x1] =	wrdreg $0xFFFFFFFF  }
0xad: {  	[dreg:$0x0] =	wrdreg $0x60  }
0xae: {  	[dreg:$0x2] =	wrdreg s24  }
0xaf: {  	[dreg:$0x3] =	wrdreg s2  }
0xb0: {  	[dreg:$0x4] =	wrdreg $0x9  }
0xb1: {  	_ =	task.clear_ibuf [dreg:s7], $0x5FFFF;
	_ =	strace $0x90000046  }
0xb2: {  	s29 =	simm.s32 $0x9;
	_ =	strace $0x80000048  }
0xb3: {  	_ =	swait.ge [sflag:s29], $0x1  }
0xb4: {  	[sflag:s29] =	ssyncadd.s32 $0xFFFFFFFF  }
0xb5: {  	_ =	strace $0x90000048  }
0xb6: {  	_ =	sfence  }
0xb7: {  	s30 =	sld [smem:$0x0];
	_ =	sdelay $0x2  }
0xb8: {  	s31 =	sshll.u32 s1, $0xD;
	s1 =	sshrl.u32 s1, $0x2  }
0xb9: {  	s3 =	sand.u32 $0x4000, s31;
	s1 =	sadd.s32 s1, s30  }
0xba: {  	s0 =	sor.u32 s3, s0;
	s1 =	sshll.u32 s1, $0x11  }
0xbb: {  	s0 =	sor.u32 s1, s0  }
0xbc: {  	s0 =	sadd.s32 $0x8F2B, s0  }
0xbd: {  	[sflag:s0] =	ssyncadd.remote.s32 $0x1  }
0xbe: {  	_ =	sfence.sel $0xFFFF  }
0xbf: {  	[dreg:$0x0] =	wrdreg $0xFFFFFFFF;
	(pc) =	sbr.abs _section_cstart, $3  }
0xc0: {  	[dreg:$0x1] =	wrdreg $0xFFFFFFFF  }
0xc1: {  	_ =	task.clear_ibuf [dreg:s7], $0x2FFFF;
	_ =	strace $0x9FFFFFFF  }
0xc2: {  	(tm) =	ssettm $0x7FFFFFFF  }
0xc3: {  	_ =	shalt  }
tec
execute0_lowered:
.L_overlay_start_1:
0x0: {  	(tag) =	ssettag $0x1  }
0x1: {  	s0 =	rddreg [dreg:$0x0];
	s1 =	srdreg.scid  }
0x2: {  	s2 =	stileid.u32;
	s13 =	rddreg [dreg:$0x1]  }
0x3: {  	s3 =	simm.s32 $0x0;
	s15 =	simm.s32 $0x80;
	s18 =	simm.s32 $0x1900  }
0x4: {  	s19 =	simm.s32 $0x5900;
	s20 =	simm.s32 $0x1;
	s22 =	simm.s32 $0x9D00  }
0x5: {  	s23 =	simm.s32 $0xA100;
	s24 =	simm.s32 $0xA500;
	s25 =	simm.s32 $0x2  }
0x6: {  	s28 =	simm.s32 $0xAD00;
	s29 =	simm.s32 $0xB100;
	s30 =	simm.s32 $0xB500  }
0x7: {  	s1 =	sand.u32 $0x1, s1;
	s2 =	sshll.u32 s2, $0x1;
	[smem:$0x7FF] =	sst s3  }
0x8: {  	s7 =	sadd.s32 $0x1000, s13;
	s8 =	sadd.s32 $0x2000, s13;
	s9 =	sadd.s32 $0x3000, s13  }
0x9: {  	s10 =	sadd.s32 $0x4000, s13;
	s11 =	sadd.s32 $0x5000, s13;
	s12 =	sadd.s32 $0x6000, s13  }
0xa: {  	v0 =	vlaneseq.u32;
	s13 =	sadd.s32 $0x7000, s13;
	s2 =	sor.u32 s1, s2;
	s1 =	ssub.s32 $0x2, s1  }
.Ltmp0:
0xb: {  	v0 =	vmul.u32 $0x80, v0;
	_ =	strace $0x80000047;
	s4 =	sshll.u32 s2, $0x4;
	(pc) =	sbr.rel .LBB2_1-.Ltmp0, $4  }
0xc: {  	s6 =	sshrl.u32 s1, $0x1;
	s5 =	sadd.s32 s4, s0;
	s4 =	sadd.s32 $0x6800, s0  }
0xd: {  	v1 =	vor.u32 $0x800, v0;
	s26 =	ssub.s32 s1, s6;
	s6 =	sshll.u32 s2, $0x7;
	s31 =	sadd.s32 $0x400, s5  }
0xe: {  	v2 =	vor.u32 $0x1000, v0;
	v3 =	vor.u32 $0x1800, v0;
	v4 =	vor.u32 $0x2000, v0;
	s1 =	simm.s32 $0x4;
	s0 =	smax.u32 s26, $0x1;
	[dreg:$0x3] =	wrdreg s31  }
0xf: {  	v5 =	vor.u32 $0x2800, v0;
	v6 =	vor.u32 $0x3000, v0;
	v7 =	vor.u32 $0x3800, v0;
	s2 =	simm.s32 $0x0;
	s26 =	simm.s32 $0xA900;
	[dreg:$0x4] =	wrdreg s0  }
.LBB2_8:
0x10: {  	s0 =	simm.s32 $0x3  }
0x11: {  	_ =	swait.ge [sflag:s0], $0x400  }
0x12: {  	[sflag:s0] =	ssyncset.done $0x0  }
0x13: {  	[sflag:s0] =	ssyncadd.s32 $0xFFFFFC00  }
0x14: {  	_ =	swait.ge [sflag:s0], $0x400  }
0x15: {  	[sflag:s0] =	ssyncset.done $0x0  }
0x16: {  	[sflag:s0] =	ssyncadd.s32 $0xFFFFFC00  }
0x17: {  	_ =	swait.ge [sflag:s0], $0x400  }
0x18: {  	[sflag:s0] =	ssyncset.done $0x0  }
0x19: {  	[sflag:s0] =	ssyncadd.s32 $0xFFFFFC00  }
0x1a: {  	_ =	swait.ge [sflag:s0], $0x400  }
0x1b: {  	[sflag:s0] =	ssyncset.done $0x0  }
0x1c: {  	[sflag:s0] =	ssyncadd.s32 $0xFFFFFC00  }
0x1d: {  	_ =	swait.ge [sflag:s1], $0x400  }
0x1e: {  	[sflag:s1] =	ssyncset.done $0x0  }
0x1f: {  	[sflag:s1] =	ssyncadd.s32 $0xFFFFFC00  }
0x20: {  	_ =	swait.ge [sflag:s1], $0x400  }
0x21: {  	[sflag:s1] =	ssyncset.done $0x0  }
0x22: {  	[sflag:s1] =	ssyncadd.s32 $0xFFFFFC00  }
0x23: {  	_ =	swait.ge [sflag:s1], $0x400  }
0x24: {  	[sflag:s1] =	ssyncset.done $0x0  }
0x25: {  	[sflag:s1] =	ssyncadd.s32 $0xFFFFFC00  }
0x26: {  	_ =	swait.ge [sflag:s1], $0x400  }
0x27: {  	s2 =	rddreg [dreg:$0x5]  }
0x28: {  	s31 =	rddreg [dreg:$0x4];
	s2 =	sadd.s32 $0x1, s2  }
0x29: {  	p0 =	sne.s32 s2, s31  }
.Ltmp1:
0x2a: {  	_ = 	snop;
	(pc) =	sbr.rel @!p0 .LBB2_9-.Ltmp1, $3  }
0x2b: {  	_ =	sdelay $0x1  }
0x2c: {  	[sflag:s1] =	ssyncset.done $0x0  }
0x2d: {  	[sflag:s1] =	ssyncadd.s32 $0xFFFFFC00  }
.LBB2_1:
0x2e: {  	[dreg:$0x5] =	wrdreg s2  }
0x2f: {  	s0 =	rddreg [dreg:$0x3];
	s21 =	simm.s32 $0x1000;
	s31 =	simm.s32 $0x5  }
0x30: {  	[tilespmem:s3], [sflag:$0x5] =	stream.strided.gather [hbm4b:s0+s15], $0x1900, s21, s15, $0x38;
	[tilespmem:$0xB900] =	vst v63  }
0x31: {  	_ =	swait.ge [sflag:s31], $0x1900  }
0x32: {  	[sflag:s31] =	ssyncset.done $0x0  }
0x33: {  	[sflag:s31] =	ssyncadd.s32 $0xFFFFE700  }
0x34: {  	[tilespmem:s18], [sflag:$0x1] =	stream.indirect.gather [hbm4b:s4+s15], $0x80, s3, s15, $0xb8;
	[tilespmem:$0xB900] =	vst v63  }
0x35: {  	s16 =	simm.s32 $0x0  }
0x36: {  	[tilespmem:s19], [sflag:$0x2] =	stream.indirect.gather [hbm4b:s4+s15], $0x80, s15, s15, $0xb8;
	[tilespmem:$0xB900] =	vst v63  }
.LBB2_2:
0x37: {  	p0 =	seq.s32 s16, $0x0  }
0x38: {  	s0 =	simm.s32 @!p0 $0x3  }
0x39: {  	_ =	swait.ge @!p0 [sflag:s0], $0x400  }
0x3a: {  	[sflag:s0] =	ssyncset.done @!p0 $0x0  }
0x3b: {  	[sflag:s0] =	ssyncadd.s32 @!p0 $0xFFFFFC00  }
0x3c: {  	_ =	swait.ge @!p0 [sflag:s0], $0x400  }
0x3d: {  	[sflag:s0] =	ssyncset.done @!p0 $0x0  }
0x3e: {  	s2 =	simm.s32 $0x3;
	[sflag:s0] =	ssyncadd.s32 @!p0 $0xFFFFFC00  }
0x3f: {  	s5 =	simm.s32 $0x1;
	v8 =	vmov s2;
	_ =	swait.ge @!p0 [sflag:s0], $0x400  }
0x40: {  	s14 =	simm.s32 $0x2;
	v9 =	vmov s5;
	v8 =	vand.u32 $0x1F, v8;
	[sflag:s0] =	ssyncset.done @!p0 $0x0  }
0x41: {  	s17 =	simm.s32 $0x0;
	v10 =	vmov s14;
	v9 =	vand.u32 $0x1D, v9;
	v14 =	vbroadcast v8, $0x0;
	[sflag:s0] =	ssyncadd.s32 @!p0 $0xFFFFFC00  }
0x42: {  	v17 =	vbroadcast v9, $0x0;
	v8 =	vand.u32 $0x1E, v10;
	v9 =	vmov s17;
	_ =	swait.ge @!p0 [sflag:s0], $0x400  }
0x43: {  	v16 =	vbroadcast v8, $0x0;
	v9 =	vand.u32 $0x1C, v9;
	v8 =	vor.u32 v0, v14;
	[sflag:s0] =	ssyncset.done @!p0 $0x0  }
0x44: {  	v10 =	vor.u32 v0, v17;
	v12 =	vbroadcast v9, $0x0;
	[sflag:s0] =	ssyncadd.s32 @!p0 $0xFFFFFC00  }
0x45: {  	v9 =	vor.u32 v0, v16;
	_ =	swait.ge [sflag:s20], $0x4000  }
0x46: {  	v11 =	vor.u32 v0, v12;
	[sflag:s20] =	ssyncset.done $0x0  }
0x47: {  	[sflag:s20] =	ssyncadd.s32 $0xFFFFC000  }
0x48: {  	v8 =	vld.idx.msk [tilespmem:v8+s18+$0x0], $0xffff  }
0x49: {  	v13 =	vor.u32 v1, v14;
	v10 =	vld.idx.msk [tilespmem:v10+s18+$0x0], $0xffff  }
0x4a: {  	v15 =	vor.u32 v1, v17;
	v9 =	vld.idx.msk [tilespmem:v9+s18+$0x0], $0xffff  }
0x4b: {  	v18 =	vor.u32 v1, v16;
	v11 =	vld.idx.msk [tilespmem:v11+s18+$0x0], $0xffff  }
0x4c: {  	s17 =	simm.s32 $0x9A00;
	v19 =	vor.u32 v1, v12  }
0x4d: {  	[tilespmem:s17+$0x80] =	vst v8  }
0x4e: {  	[tilespmem:s17+$0xFFFFFF80] =	vst v10;
	v8 =	vld.idx.msk [tilespmem:v13+s18+$0x0], $0xffff  }
0x4f: {  	[tilespmem:s17+$0x0] =	vst v9;
	v9 =	vor.u32 v2, v14;
	v10 =	vld.idx.msk [tilespmem:v15+s18+$0x0], $0xffff  }
0x50: {  	[tilespmem:s17+$0xFFFFFF00] =	vst v11;
	v13 =	vld.idx.msk [tilespmem:v18+s18+$0x0], $0xffff;
	v15 =	vor.u32 v2, v17  }
0x51: {  	v11 =	vor.u32 v2, v16;
	v18 =	vld.idx.msk [tilespmem:v19+s18+$0x0], $0xffff  }
0x52: {  	v19 =	vor.u32 v2, v12  }
0x53: {  	[tilespmem:s17+$0x90] =	vst v8  }
0x54: {  	s21 =	simm.s32 $0x4;
	[tilespmem:s17+$0xFFFFFF90] =	vst v10;
	v10 =	vld.idx.msk [tilespmem:v9+s18+$0x0], $0xffff  }
0x55: {  	s2 =	simm.s32 $0x5;
	v8 =	vmov s21;
	[tilespmem:s17+$0x10] =	vst v13;
	v13 =	vor.u32 v3, v14;
	v15 =	vld.idx.msk [tilespmem:v15+s18+$0x0], $0xffff  }
0x56: {  	v20 =	vor.u32 v3, v17;
	[tilespmem:s17+$0xFFFFFF10] =	vst v18;
	v8 =	vand.u32 $0x1C, v8;
	v9 =	vmov s2;
	v11 =	vld.idx.msk [tilespmem:v11+s18+$0x0], $0xffff  }
0x57: {  	v18 =	vor.u32 v3, v16;
	v19 =	vld.idx.msk [tilespmem:v19+s18+$0x0], $0xffff;
	v8 =	vbroadcast v8, $0x0;
	v9 =	vand.u32 $0x1D, v9  }
0x58: {  	v22 =	vor.u32 v3, v12;
	v9 =	vbroadcast v9, $0x0  }
0x59: {  	s5 =	simm.s32 $0x7;
	v21 =	vor.u32 v0, v8;
	[tilespmem:s17+$0xA0] =	vst v10  }
0x5a: {  	s14 =	simm.s32 $0x6;
	v23 =	vor.u32 v0, v9;
	[tilespmem:s17+$0xFFFFFFA0] =	vst v15;
	v10 =	vmov s5;
	v15 =	vld.idx.msk [tilespmem:v13+s18+$0x0], $0xffff  }
0x5b: {  	v25 =	vmov s14;
	[tilespmem:s17+$0x20] =	vst v11;
	v11 =	vor.u32 v4, v14;
	v20 =	vld.idx.msk [tilespmem:v20+s18+$0x0], $0xffff;
	v10 =	vand.u32 $0x1F, v10  }
0x5c: {  	v24 =	vor.u32 v4, v17;
	[tilespmem:s17+$0xFFFFFF20] =	vst v19;
	v18 =	vld.idx.msk [tilespmem:v18+s18+$0x0], $0xffff;
	v13 =	vbroadcast v10, $0x0;
	v10 =	vand.u32 $0x1E, v25  }
0x5d: {  	v19 =	vor.u32 v4, v16;
	v22 =	vld.idx.msk [tilespmem:v22+s18+$0x0], $0xffff;
	v10 =	vbroadcast v10, $0x0  }
0x5e: {  	v21 =	vld.idx.msk [tilespmem:v21+s18+$0x0], $0xffff;
	v25 =	vor.u32 v0, v13  }
0x5f: {  	v23 =	vld.idx.msk [tilespmem:v23+s18+$0x0], $0xffff;
	v26 =	vor.u32 v0, v10;
	[tilespmem:s17+$0xB0] =	vst v15  }
0x60: {  	s31 =	simm.s32 $0x8;
	v15 =	vor.u32 v4, v12;
	[tilespmem:s17+$0xFFFFFFB0] =	vst v20;
	v20 =	vld.idx.msk [tilespmem:v11+s18+$0x0], $0xffff  }
0x61: {  	[tilespmem:s17+$0x30] =	vst v18;
	v18 =	vor.u32 v5, v14;
	v11 =	vmov s31;
	v24 =	vld.idx.msk [tilespmem:v24+s18+$0x0], $0xffff  }
0x62: {  	v27 =	vor.u32 v5, v17;
	v19 =	vld.idx.msk [tilespmem:v19+s18+$0x0], $0xffff;
	v11 =	vand.u32 $0x1C, v11  }
0x63: {  	[tilespmem:s17+$0xFFFFFF30] =	vst v22;
	v11 =	vbroadcast v11, $0x0;
	v22 =	vld.idx.msk [tilespmem:v25+s18+$0x0], $0xffff;
	v25 =	vor.u32 v5, v16  }
0x64: {  	v30 =	vor.u32 v1, v13;
	v26 =	vld.idx.msk [tilespmem:v26+s18+$0x0], $0xffff  }
0x65: {  	v28 =	vor.u32 v0, v11;
	v29 =	vld.idx.msk [tilespmem:v15+s18+$0x0], $0xffff;
	[tilespmem:s17+$0xC0] =	vst v20  }
0x66: {  	v20 =	vor.u32 v1, v9;
	[tilespmem:s17+$0xFFFFFFC0] =	vst v24;
	v18 =	vld.idx.msk [tilespmem:v18+s18+$0x0], $0xffff  }
0x67: {  	s14 =	simm.s32 $0x9C00;
	v24 =	vor.u32 v1, v10;
	[tilespmem:s17+$0x40] =	vst v19;
	v27 =	vld.idx.msk [tilespmem:v27+s18+$0x0], $0xffff  }
0x68: {  	v19 =	vld.idx.msk [tilespmem:v25+s18+$0x0], $0xffff;
	v25 =	vor.u32 v6, v14;
	[tilespmem:s14+$0x80] =	vst v22  }
0x69: {  	[tilespmem:s14+$0xFFFFFF80] =	vst v23;
	v23 =	vor.u32 v5, v12;
	v22 =	vld.idx.msk [tilespmem:v30+s18+$0x0], $0xffff  }
0x6a: {  	[tilespmem:s14+$0xFFFFFF00] =	vst v21;
	v15 =	vld.idx.msk [tilespmem:v28+s18+$0x0], $0xffff;
	v28 =	vor.u32 v1, v8  }
0x6b: {  	[tilespmem:s14+$0x0] =	vst v26;
	v26 =	vor.u32 v6, v17;
	v20 =	vld.idx.msk [tilespmem:v20+s18+$0x0], $0xffff  }
0x6c: {  	v30 =	vor.u32 v2, v13;
	v24 =	vld.idx.msk [tilespmem:v24+s18+$0x0], $0xffff;
	[tilespmem:s17+$0xD0] =	vst v18  }
0x6d: {  	v21 =	vor.u32 v2, v9;
	[tilespmem:s17+$0xFFFFFF40] =	vst v29;
	v25 =	vld.idx.msk [tilespmem:v25+s18+$0x0], $0xffff  }
0x6e: {  	v14 =	vor.u32 v7, v14;
	v23 =	vld.idx.msk [tilespmem:v23+s18+$0x0], $0xffff;
	[tilespmem:s17+$0xFFFFFFD0] =	vst v27  }
0x6f: {  	v31 =	vor.u32 v2, v10;
	[tilespmem:s17+$0x50] =	vst v19;
	v28 =	vld.idx.msk [tilespmem:v28+s18+$0x0], $0xffff  }
0x70: {  	[tilespmem:s14+$0x90] =	vst v22;
	v18 =	vld.idx.msk [tilespmem:v26+s18+$0x0], $0xffff;
	v22 =	vor.u32 v6, v16  }
0x71: {  	s21 =	simm.s32 $0x9;
	v27 =	vor.u32 v2, v8;
	[tilespmem:s14+$0xFFFFFF90] =	vst v20;
	v20 =	vld.idx.msk [tilespmem:v30+s18+$0x0], $0xffff  }
0x72: {  	v26 =	vor.u32 v6, v12;
	v30 =	vld.idx.msk [tilespmem:v21+s18+$0x0], $0xffff;
	v21 =	vmov s21;
	[tilespmem:s17+$0xE0] =	vst v25  }
0x73: {  	v32 =	vor.u32 v3, v13;
	[tilespmem:s14+$0x10] =	vst v24;
	v25 =	vld.idx.msk [tilespmem:v14+s18+$0x0], $0xffff;
	v14 =	vand.u32 $0x1D, v21  }
0x74: {  	v31 =	vld.idx.msk [tilespmem:v31+s18+$0x0], $0xffff;
	[tilespmem:s14+$0xFFFFFF10] =	vst v28;
	v28 =	vor.u32 v3, v9;
	v14 =	vbroadcast v14, $0x0  }
0x75: {  	v29 =	vor.u32 v3, v10;
	[tilespmem:s17+$0xFFFFFF50] =	vst v23;
	v21 =	vld.idx.msk [tilespmem:v22+s18+$0x0], $0xffff  }
0x76: {  	v24 =	vld.idx.msk [tilespmem:v27+s18+$0x0], $0xffff;
	[tilespmem:s14+$0xA0] =	vst v20;
	v20 =	vor.u32 v0, v14  }
0x77: {  	v19 =	vld.idx.msk [tilespmem:v26+s18+$0x0], $0xffff;
	v26 =	vor.u32 v3, v8  }
0x78: {  	v27 =	vor.u32 v7, v17;
	[tilespmem:s14+$0xFFFFFFA0] =	vst v30;
	v22 =	vld.idx.msk [tilespmem:v32+s18+$0x0], $0xffff  }
0x79: {  	s0 =	simm.s32 $0xC;
	s2 =	simm.s32 $0xB;
	s5 =	sshll.u32 s16, $0xA;
	[tilespmem:s14+$0x20] =	vst v31;
	v23 =	vld.idx.msk [tilespmem:v28+s18+$0x0], $0xffff;
	v28 =	vor.u32 v7, v16  }
.LBB2_3:
0x7a: {  	p0 =	slt.u32 s0, $0x1C;
	v16 =	vmov s2;
	v17 =	vld.idx.msk [tilespmem:v29+s18+$0x0], $0xffff;
	v29 =	vor.u32 v4, v13;
	[tilespmem:s17+$0xF0] =	vst v25  }
0x7b: {  	s2 =	sadd.s32 $0x2, s31;
	s31 =	smov.u32 s0;
	v20 =	vld.idx.msk [tilespmem:v20+s18+$0x0], $0xffff;
	v16 =	vand.u32 $0x1F, v16;
	[tilespmem:s14+$0xFFFFFF20] =	vst v24;
	v24 =	vor.u32 v4, v9  }
0x7c: {  	v30 =	vor.u32 v4, v10;
	v25 =	vmov s2;
	v16 =	vbroadcast v16, $0x0;
	v26 =	vld.idx.msk [tilespmem:v26+s18+$0x0], $0xffff;
	[tilespmem:s17+$0xFFFFFFE0] =	vst v18  }
0x7d: {  	v18 =	vand.u32 $0x1E, v25;
	v25 =	vor.u32 v7, v12;
	v12 =	vmovc v8;
	v8 =	vmov v11;
	v27 =	vld.idx.msk [tilespmem:v27+s18+$0x0], $0xffff;
	[tilespmem:s17+$0x60] =	vst v21  }
0x7e: {  	v31 =	vbroadcast v18, $0x0;
	v18 =	vor.u32 v0, v16;
	[tilespmem:s14+$0xB0] =	vst v22;
	v21 =	vld.idx.msk [tilespmem:v28+s18+$0x0], $0xffff  }
0x7f: {  	v22 =	vor.u32 v4, v12;
	[tilespmem:s14+$0xFFFFFFB0] =	vst v23;
	v23 =	vld.idx.msk [tilespmem:v29+s18+$0x0], $0xffff  }
0x80: {  	v11 =	vmov s0;
	v28 =	vor.u32 v0, v31;
	v24 =	vld.idx.msk [tilespmem:v24+s18+$0x0], $0xffff;
	[tilespmem:s14+$0x30] =	vst v17  }
0x81: {  	v11 =	vand.u32 $0x1C, v11;
	v29 =	vor.u32 v5, v13;
	v17 =	vld.idx.msk [tilespmem:v30+s18+$0x0], $0xffff;
	[tilespmem:s17+$0xFFFFFF60] =	vst v19  }
0x82: {  	v11 =	vbroadcast v11, $0x0;
	v19 =	vor.u32 v5, v9;
	[tilespmem:s14+$0xFFFFFF30] =	vst v26;
	v25 =	vld.idx.msk [tilespmem:v25+s18+$0x0], $0xffff  }
0x83: {  	v26 =	vor.u32 v5, v10;
	v18 =	vld.idx.msk [tilespmem:v18+s18+$0x0], $0xffff;
	[tilespmem:s17+$0xFFFFFFF0] =	vst v27  }
0x84: {  	v27 =	vor.u32 v0, v11;
	v22 =	vld.idx.msk [tilespmem:v22+s18+$0x0], $0xffff;
	[tilespmem:s17+$0x70] =	vst v21  }
0x85: {  	v21 =	vld.idx.msk [tilespmem:v28+s18+$0x0], $0xffff;
	v28 =	vor.u32 v1, v16;
	[tilespmem:s14+$0xC0] =	vst v23  }
0x86: {  	v23 =	vor.u32 v1, v14;
	[tilespmem:s14+$0xFFFFFFC0] =	vst v24;
	v24 =	vld.idx.msk [tilespmem:v29+s18+$0x0], $0xffff  }
0x87: {  	v29 =	vor.u32 v1, v31;
	v19 =	vld.idx.msk [tilespmem:v19+s18+$0x0], $0xffff;
	[tilespmem:s14+$0x40] =	vst v17  }
0x88: {  	v17 =	vld.idx.msk [tilespmem:v26+s18+$0x0], $0xffff;
	v26 =	vor.u32 v6, v13;
	[tilespmem:s17+$0xFFFFFF70] =	vst v25;
	s17 =	smov.u32 s14;
	s14 =	sadd.s32 $0x200, s14  }
0x89: {  	v25 =	vld.idx.msk [tilespmem:v27+s18+$0x0], $0xffff;
	v27 =	vor.u32 v1, v8;
	[tilespmem:s14+$0x80] =	vst v18  }
0x8a: {  	[tilespmem:s14+$0xFFFFFF80] =	vst v20;
	v18 =	vld.idx.msk [tilespmem:v28+s18+$0x0], $0xffff;
	v20 =	vor.u32 v5, v12  }
0x8b: {  	v23 =	vld.idx.msk [tilespmem:v23+s18+$0x0], $0xffff;
	[tilespmem:s14+$0x0] =	vst v21;
	v21 =	vor.u32 v6, v9  }
0x8c: {  	v28 =	vld.idx.msk [tilespmem:v29+s18+$0x0], $0xffff;
	v29 =	vor.u32 v2, v16;
	[tilespmem:s17+$0xD0] =	vst v24  }
0x8d: {  	v24 =	vor.u32 v2, v14;
	[tilespmem:s14+$0xFFFFFF00] =	vst v15;
	v26 =	vld.idx.msk [tilespmem:v26+s18+$0x0], $0xffff  }
0x8e: {  	v30 =	vor.u32 v2, v31;
	v27 =	vld.idx.msk [tilespmem:v27+s18+$0x0], $0xffff;
	[tilespmem:s17+$0xFFFFFF40] =	vst v22  }
0x8f: {  	v15 =	vmov v25;
	v22 =	vld.idx.msk [tilespmem:v20+s18+$0x0], $0xffff;
	[tilespmem:s17+$0xFFFFFFD0] =	vst v19;
	v19 =	vor.u32 v7, v13;
	v13 =	vmov v16  }
0x90: {  	v16 =	vor.u32 v2, v8;
	[tilespmem:s14+$0x90] =	vst v18;
	v18 =	vld.idx.msk [tilespmem:v21+s18+$0x0], $0xffff  }
0x91: {  	s2 =	sadd.s32 $0x1, s0;
	v21 =	vor.u32 v6, v10;
	[tilespmem:s14+$0xFFFFFF90] =	vst v23;
	v23 =	vld.idx.msk [tilespmem:v29+s18+$0x0], $0xffff  }
0x92: {  	v20 =	vmov s2;
	v32 =	vld.idx.msk [tilespmem:v24+s18+$0x0], $0xffff;
	[tilespmem:s14+$0x10] =	vst v28;
	v28 =	vor.u32 v6, v12  }
0x93: {  	v20 =	vand.u32 $0x1D, v20;
	v33 =	vor.u32 v3, v13;
	v30 =	vld.idx.msk [tilespmem:v30+s18+$0x0], $0xffff;
	[tilespmem:s17+$0xE0] =	vst v26  }
0x94: {  	v35 =	vor.u32 v3, v14;
	v34 =	vbroadcast v20, $0x0;
	[tilespmem:s14+$0xFFFFFF10] =	vst v27;
	v25 =	vld.idx.msk [tilespmem:v19+s18+$0x0], $0xffff  }
.Ltmp2:
0x95: {  	v29 =	vor.u32 v3, v31;
	v24 =	vld.idx.msk [tilespmem:v16+s18+$0x0], $0xffff;
	[tilespmem:s17+$0x50] =	vst v17;
	(pc) =	sbr.rel @p0 .LBB2_3-.Ltmp2, $4  }
0x96: {  	v20 =	vor.u32 v0, v34;
	[tilespmem:s17+$0xFFFFFF50] =	vst v22;
	v21 =	vld.idx.msk [tilespmem:v21+s18+$0x0], $0xffff  }
0x97: {  	v26 =	vor.u32 v3, v8;
	[tilespmem:s14+$0xA0] =	vst v23;
	v19 =	vld.idx.msk [tilespmem:v28+s18+$0x0], $0xffff  }
0x98: {  	v27 =	vor.u32 v7, v9;
	v9 =	vmov v14;
	v14 =	vmov v34;
	[tilespmem:s14+$0xFFFFFFA0] =	vst v32;
	v22 =	vld.idx.msk [tilespmem:v33+s18+$0x0], $0xffff  }
0x99: {  	s0 =	sadd.s32 $0x4, s0;
	s2 =	sadd.s32 $0x3, s31;
	v28 =	vor.u32 v7, v10;
	v10 =	vmov v31;
	v23 =	vld.idx.msk [tilespmem:v35+s18+$0x0], $0xffff;
	[tilespmem:s14+$0x20] =	vst v30  }
0x9a: {  	_ =	sdelay $0x2  }
0x9b: {  	v16 =	vmov s2;
	[tilespmem:s17+$0xF0] =	vst v25  }
0x9c: {  	v25 =	vld.idx.msk [tilespmem:v29+s18+$0x0], $0xffff;
	v29 =	vor.u32 v4, v13;
	s0 =	sadd.s32 $0x2, s31;
	[tilespmem:s14+$0xFFFFFF20] =	vst v24;
	v16 =	vand.u32 $0x1F, v16  }
0x9d: {  	v24 =	vor.u32 v4, v9;
	[tilespmem:s17+$0xFFFFFFE0] =	vst v18;
	v30 =	vmov s0;
	v17 =	vbroadcast v16, $0x0  }
0x9e: {  	v18 =	vld.idx.msk [tilespmem:v26+s18+$0x0], $0xffff;
	v26 =	vor.u32 v4, v10;
	[tilespmem:s17+$0x60] =	vst v21;
	v16 =	vand.u32 $0x1E, v30  }
0x9f: {  	v21 =	vld.idx.msk [tilespmem:v27+s18+$0x0], $0xffff;
	[tilespmem:s17+$0xFFFFFF60] =	vst v19;
	v16 =	vbroadcast v16, $0x0;
	v27 =	vor.u32 v0, v17  }
0xa0: {  	[tilespmem:s14+$0xB0] =	vst v22;
	v22 =	vld.idx.msk [tilespmem:v28+s18+$0x0], $0xffff  }
0xa1: {  	[tilespmem:s14+$0xFFFFFFB0] =	vst v23;
	v23 =	vld.idx.msk [tilespmem:v29+s18+$0x0], $0xffff;
	v28 =	vor.u32 v0, v16  }
0xa2: {  	[tilespmem:s14+$0x30] =	vst v25;
	v24 =	vld.idx.msk [tilespmem:v24+s18+$0x0], $0xffff  }
0xa3: {  	v12 =	vor.u32 v7, v12;
	v19 =	vld.idx.msk [tilespmem:v26+s18+$0x0], $0xffff;
	[tilespmem:s14+$0xFFFFFF30] =	vst v18  }
0xa4: {  	v18 =	vor.u32 v5, v13;
	[tilespmem:s17+$0xFFFFFFF0] =	vst v21;
	v25 =	vld.idx.msk [tilespmem:v27+s18+$0x0], $0xffff  }
0xa5: {  	v20 =	vld.idx.msk [tilespmem:v20+s18+$0x0], $0xffff;
	v21 =	vor.u32 v1, v17;
	[tilespmem:s17+$0x70] =	vst v22  }
0xa6: {  	v22 =	vld.idx.msk [tilespmem:v28+s18+$0x0], $0xffff;
	[tilespmem:s14+$0xC0] =	vst v23;
	v23 =	vor.u32 v1, v14  }
0xa7: {  	[tilespmem:s14+$0xFFFFFFC0] =	vst v24;
	v24 =	vor.u32 v1, v16  }
0xa8: {  	s21 =	sadd.s32 $0x200, s14;
	v12 =	vld.idx.msk [tilespmem:v12+s18+$0x0], $0xffff;
	[tilespmem:s14+$0x40] =	vst v19;
	v19 =	vor.u32 v1, v11  }
0xa9: {  	v26 =	vor.u32 v4, v8;
	v18 =	vld.idx.msk [tilespmem:v18+s18+$0x0], $0xffff;
	[tilespmem:s21+$0x80] =	vst v25  }
0xaa: {  	[tilespmem:s21+$0xFFFFFF80] =	vst v20;
	v25 =	vor.u32 v5, v9;
	v20 =	vld.idx.msk [tilespmem:v21+s18+$0x0], $0xffff  }
0xab: {  	v21 =	vld.idx.msk [tilespmem:v23+s18+$0x0], $0xffff;
	[tilespmem:s21+$0x0] =	vst v22;
	v22 =	vor.u32 v2, v17  }
0xac: {  	[tilespmem:s21+$0xFFFFFF00] =	vst v15;
	v15 =	vor.u32 v2, v14;
	v23 =	vld.idx.msk [tilespmem:v24+s18+$0x0], $0xffff  }
0xad: {  	[tilespmem:s17+$0xFFFFFF70] =	vst v12;
	v12 =	vld.idx.msk [tilespmem:v19+s18+$0x0], $0xffff;
	v19 =	vor.u32 v2, v16  }
0xae: {  	v24 =	vld.idx.msk [tilespmem:v26+s18+$0x0], $0xffff;
	[tilespmem:s14+$0xD0] =	vst v18;
	v18 =	vor.u32 v2, v11  }
0xaf: {  	v26 =	vor.u32 v6, v13;
	v25 =	vld.idx.msk [tilespmem:v25+s18+$0x0], $0xffff;
	[tilespmem:s21+$0x90] =	vst v20  }
0xb0: {  	v20 =	vor.u32 v5, v10;
	[tilespmem:s21+$0xFFFFFF90] =	vst v21;
	v21 =	vld.idx.msk [tilespmem:v22+s18+$0x0], $0xffff  }
0xb1: {  	v15 =	vld.idx.msk [tilespmem:v15+s18+$0x0], $0xffff;
	[tilespmem:s21+$0x10] =	vst v23;
	v22 =	vor.u32 v3, v17  }
0xb2: {  	[tilespmem:s21+$0xFFFFFF10] =	vst v12;
	v12 =	vor.u32 v3, v14;
	v19 =	vld.idx.msk [tilespmem:v19+s18+$0x0], $0xffff  }
0xb3: {  	[tilespmem:s14+$0xFFFFFF40] =	vst v24;
	v23 =	vor.u32 v3, v16;
	v18 =	vld.idx.msk [tilespmem:v18+s18+$0x0], $0xffff  }
0xb4: {  	v24 =	vld.idx.msk [tilespmem:v26+s18+$0x0], $0xffff;
	[tilespmem:s14+$0xFFFFFFD0] =	vst v25;
	v25 =	vor.u32 v3, v11  }
0xb5: {  	v26 =	vor.u32 v5, v8;
	v20 =	vld.idx.msk [tilespmem:v20+s18+$0x0], $0xffff;
	[tilespmem:s21+$0xA0] =	vst v21  }
0xb6: {  	v13 =	vor.u32 v7, v13;
	[tilespmem:s21+$0xFFFFFFA0] =	vst v15;
	v15 =	vld.idx.msk [tilespmem:v22+s18+$0x0], $0xffff  }
0xb7: {  	v12 =	vld.idx.msk [tilespmem:v12+s18+$0x0], $0xffff;
	[tilespmem:s21+$0x20] =	vst v19;
	v19 =	vor.u32 v4, v17  }
0xb8: {  	[tilespmem:s21+$0xFFFFFF20] =	vst v18;
	v18 =	vor.u32 v4, v14;
	v21 =	vld.idx.msk [tilespmem:v23+s18+$0x0], $0xffff  }
0xb9: {  	[tilespmem:s14+$0xE0] =	vst v24;
	v23 =	vor.u32 v4, v16;
	v22 =	vld.idx.msk [tilespmem:v25+s18+$0x0], $0xffff  }
0xba: {  	v24 =	vld.idx.msk [tilespmem:v26+s18+$0x0], $0xffff;
	[tilespmem:s14+$0x50] =	vst v20;
	v20 =	vor.u32 v4, v11  }
0xbb: {  	v13 =	vld.idx.msk [tilespmem:v13+s18+$0x0], $0xffff;
	v25 =	vor.u32 v6, v9;
	[tilespmem:s21+$0xB0] =	vst v15  }
0xbc: {  	v15 =	vor.u32 v6, v10;
	[tilespmem:s21+$0xFFFFFFB0] =	vst v12;
	v12 =	vld.idx.msk [tilespmem:v19+s18+$0x0], $0xffff  }
0xbd: {  	v18 =	vld.idx.msk [tilespmem:v18+s18+$0x0], $0xffff;
	[tilespmem:s21+$0x30] =	vst v21;
	v19 =	vor.u32 v5, v17  }
0xbe: {  	v21 =	vld.idx.msk [tilespmem:v23+s18+$0x0], $0xffff;
	[tilespmem:s21+$0xFFFFFF30] =	vst v22;
	v22 =	vor.u32 v5, v14  }
0xbf: {  	[tilespmem:s14+$0xFFFFFF50] =	vst v24;
	v23 =	vor.u32 v5, v16;
	v20 =	vld.idx.msk [tilespmem:v20+s18+$0x0], $0xffff  }
0xc0: {  	[tilespmem:s14+$0xF0] =	vst v13;
	v13 =	vor.u32 v5, v11;
	v24 =	vld.idx.msk [tilespmem:v25+s18+$0x0], $0xffff  }
0xc1: {  	v25 =	vor.u32 v6, v8;
	v15 =	vld.idx.msk [tilespmem:v15+s18+$0x0], $0xffff;
	[tilespmem:s21+$0xC0] =	vst v12  }
0xc2: {  	v9 =	vor.u32 v7, v9;
	[tilespmem:s21+$0xFFFFFFC0] =	vst v18;
	v12 =	vld.idx.msk [tilespmem:v19+s18+$0x0], $0xffff  }
0xc3: {  	v18 =	vld.idx.msk [tilespmem:v22+s18+$0x0], $0xffff;
	[tilespmem:s21+$0x40] =	vst v21;
	v19 =	vor.u32 v6, v17  }
0xc4: {  	v22 =	vor.u32 v6, v14;
	v21 =	vld.idx.msk [tilespmem:v23+s18+$0x0], $0xffff;
	[tilespmem:s21+$0xFFFFFF40] =	vst v20  }
0xc5: {  	[tilespmem:s14+$0xFFFFFFE0] =	vst v24;
	v20 =	vor.u32 v6, v16;
	v13 =	vld.idx.msk [tilespmem:v13+s18+$0x0], $0xffff  }
0xc6: {  	v23 =	vld.idx.msk [tilespmem:v25+s18+$0x0], $0xffff;
	[tilespmem:s14+$0x60] =	vst v15;
	v15 =	vor.u32 v6, v11  }
0xc7: {  	v10 =	vor.u32 v7, v10;
	v9 =	vld.idx.msk [tilespmem:v9+s18+$0x0], $0xffff;
	[tilespmem:s21+$0xD0] =	vst v12  }
0xc8: {  	v8 =	vor.u32 v7, v8;
	[tilespmem:s21+$0xFFFFFFD0] =	vst v18;
	v12 =	vld.idx.msk [tilespmem:v19+s18+$0x0], $0xffff  }
0xc9: {  	v17 =	vor.u32 v7, v17;
	v18 =	vld.idx.msk [tilespmem:v22+s18+$0x0], $0xffff;
	[tilespmem:s21+$0x50] =	vst v21  }
0xca: {  	v14 =	vor.u32 v7, v14;
	[tilespmem:s21+$0xFFFFFF50] =	vst v13;
	v13 =	vld.idx.msk [tilespmem:v20+s18+$0x0], $0xffff  }
0xcb: {  	v16 =	vor.u32 v7, v16;
	[tilespmem:s14+$0xFFFFFF60] =	vst v23;
	v15 =	vld.idx.msk [tilespmem:v15+s18+$0x0], $0xffff  }
0xcc: {  	v10 =	vld.idx.msk [tilespmem:v10+s18+$0x0], $0xffff;
	[tilespmem:s14+$0xFFFFFFF0] =	vst v9;
	v9 =	vor.u32 v7, v11  }
0xcd: {  	v8 =	vld.idx.msk [tilespmem:v8+s18+$0x0], $0xffff;
	[tilespmem:s21+$0xE0] =	vst v12  }
0xce: {  	[tilespmem:s21+$0xFFFFFFE0] =	vst v18;
	v11 =	vld.idx.msk [tilespmem:v17+s18+$0x0], $0xffff  }
0xcf: {  	v12 =	vld.idx.msk [tilespmem:v14+s18+$0x0], $0xffff;
	[tilespmem:s21+$0x60] =	vst v13  }
0xd0: {  	v13 =	vld.idx.msk [tilespmem:v16+s18+$0x0], $0xffff;
	[tilespmem:s21+$0xFFFFFF60] =	vst v15  }
0xd1: {  	[tilespmem:s14+$0x70] =	vst v10;
	v9 =	vld.idx.msk [tilespmem:v9+s18+$0x0], $0xffff  }
0xd2: {  	[tilespmem:s14+$0xFFFFFF70] =	vst v8  }
0xd3: {  	[tilespmem:s21+$0xF0] =	vst v11  }
0xd4: {  	s14 =	sshll.u32 s16, $0xF;
	[tilespmem:s21+$0xFFFFFFF0] =	vst v12  }
0xd5: {  	s17 =	rddreg [dreg:$0x1];
	s14 =	sor.u32 s6, s14;
	[tilespmem:s21+$0x70] =	vst v13  }
0xd6: {  	s0 =	sadd.s32 s17, s14;
	[tilespmem:s21+$0xFFFFFF70] =	vst v9;
	s21 =	simm.s32 $0x9900  }
0xd7: {  	[hbm4b:s0+s3] =	stream.linear.scatter [tilespmem:s21], [sflag:$0x3], $0x400, $0x38;
	[tilespmem:$0xB900] =	vst v63  }
0xd8: {  	p0 =	seq.s32 s16, $0x18;
	s2 =	sadd.s32 s14, s7  }
0xd9: {  	[hbm4b:s2+s3] =	stream.linear.scatter [tilespmem:s22], [sflag:$0x3], $0x400, $0x38;
	[tilespmem:$0xB900] =	vst v63  }
0xda: {  	p1 =	seq.s32 @!p0 s16, $0x0;
	s17 =	sadd.s32 s14, s8  }
0xdb: {  	[hbm4b:s17+s3] =	stream.linear.scatter [tilespmem:s23], [sflag:$0x3], $0x400, $0x38;
	[tilespmem:$0xB900] =	vst v63  }
0xdc: {  	p1 =	por p0, !p1;
	s21 =	sadd.s32 s14, s9;
	s0 =	sshrl.u32 @!p0 s5, $0x2  }
0xdd: {  	[hbm4b:s21+s3] =	stream.linear.scatter [tilespmem:s24], [sflag:$0x3], $0x400, $0x38;
	[tilespmem:$0xB900] =	vst v63  }
0xde: {  	s0 =	sadd.s32 @!p0 $0x100, s0;
	s2 =	simm.s32 @!p0 $0x80;
	s17 =	simm.s32 @!p0 $0x1900  }
0xdf: {  	[tilespmem:s17], [sflag:$0x1] =	stream.indirect.gather @!p0 [hbm4b:s4+s2], $0x80, s0, s2, $0xb8;
	[tilespmem:$0xB900] =	vst v63  }
0xe0: {  	_ =	swait.ge @p1 [sflag:s1], $0x400  }
0xe1: {  	[sflag:s1] =	ssyncset.done @p1 $0x0  }
0xe2: {  	[sflag:s1] =	ssyncadd.s32 @p1 $0xFFFFFC00  }
0xe3: {  	_ =	swait.ge @p1 [sflag:s1], $0x400  }
0xe4: {  	[sflag:s1] =	ssyncset.done @p1 $0x0  }
0xe5: {  	s2 =	simm.s32 $0x3;
	[sflag:s1] =	ssyncadd.s32 @p1 $0xFFFFFC00  }
0xe6: {  	s17 =	simm.s32 $0x1;
	v8 =	vmov s2;
	_ =	swait.ge @p1 [sflag:s1], $0x400  }
0xe7: {  	s21 =	simm.s32 $0x2;
	v9 =	vmov s17;
	v8 =	vand.u32 $0x1F, v8;
	[sflag:s1] =	ssyncset.done @p1 $0x0  }
0xe8: {  	v10 =	vmov s21;
	s2 =	simm.s32 $0x0;
	v9 =	vand.u32 $0x1D, v9;
	v14 =	vbroadcast v8, $0x0;
	[sflag:s1] =	ssyncadd.s32 @p1 $0xFFFFFC00  }
0xe9: {  	v17 =	vbroadcast v9, $0x0;
	v8 =	vand.u32 $0x1E, v10;
	v9 =	vmov s2;
	_ =	swait.ge @p1 [sflag:s1], $0x400  }
0xea: {  	v16 =	vbroadcast v8, $0x0;
	v9 =	vand.u32 $0x1C, v9;
	v8 =	vor.u32 v0, v14;
	[sflag:s1] =	ssyncset.done @p1 $0x0  }
0xeb: {  	v10 =	vor.u32 v0, v17;
	v12 =	vbroadcast v9, $0x0;
	[sflag:s1] =	ssyncadd.s32 @p1 $0xFFFFFC00  }
0xec: {  	v9 =	vor.u32 v0, v16;
	_ =	swait.ge [sflag:s25], $0x4000  }
0xed: {  	v11 =	vor.u32 v0, v12;
	[sflag:s25] =	ssyncset.done $0x0  }
0xee: {  	[sflag:s25] =	ssyncadd.s32 $0xFFFFC000  }
0xef: {  	v8 =	vld.idx.msk [tilespmem:v8+s19+$0x0], $0xffff  }
0xf0: {  	v13 =	vor.u32 v1, v14;
	v10 =	vld.idx.msk [tilespmem:v10+s19+$0x0], $0xffff  }
0xf1: {  	v15 =	vor.u32 v1, v17;
	v9 =	vld.idx.msk [tilespmem:v9+s19+$0x0], $0xffff  }
0xf2: {  	v18 =	vor.u32 v1, v16;
	v11 =	vld.idx.msk [tilespmem:v11+s19+$0x0], $0xffff  }
0xf3: {  	s31 =	simm.s32 $0xAAF0;
	v19 =	vor.u32 v1, v12  }
0xf4: {  	[tilespmem:s31+$0xFFFFFF90] =	vst v8  }
0xf5: {  	[tilespmem:s31+$0xFFFFFE90] =	vst v10;
	v8 =	vld.idx.msk [tilespmem:v13+s19+$0x0], $0xffff  }
0xf6: {  	[tilespmem:s31+$0xFFFFFF10] =	vst v9;
	v9 =	vor.u32 v2, v14;
	v10 =	vld.idx.msk [tilespmem:v15+s19+$0x0], $0xffff  }
0xf7: {  	[tilespmem:s31+$0xFFFFFE10] =	vst v11;
	v13 =	vld.idx.msk [tilespmem:v18+s19+$0x0], $0xffff;
	v15 =	vor.u32 v2, v17  }
0xf8: {  	v11 =	vor.u32 v2, v16;
	v18 =	vld.idx.msk [tilespmem:v19+s19+$0x0], $0xffff  }
0xf9: {  	v19 =	vor.u32 v2, v12  }
0xfa: {  	[tilespmem:s31+$0xFFFFFFA0] =	vst v8  }
0xfb: {  	s17 =	simm.s32 $0x4;
	[tilespmem:s31+$0xFFFFFEA0] =	vst v10;
	v10 =	vld.idx.msk [tilespmem:v9+s19+$0x0], $0xffff  }
0xfc: {  	s21 =	simm.s32 $0x5;
	v8 =	vmov s17;
	[tilespmem:s31+$0xFFFFFF20] =	vst v13;
	v13 =	vor.u32 v3, v14;
	v15 =	vld.idx.msk [tilespmem:v15+s19+$0x0], $0xffff  }
0xfd: {  	v20 =	vor.u32 v3, v17;
	[tilespmem:s31+$0xFFFFFE20] =	vst v18;
	v8 =	vand.u32 $0x1C, v8;
	v9 =	vmov s21;
	v11 =	vld.idx.msk [tilespmem:v11+s19+$0x0], $0xffff  }
0xfe: {  	v18 =	vor.u32 v3, v16;
	v19 =	vld.idx.msk [tilespmem:v19+s19+$0x0], $0xffff;
	v8 =	vbroadcast v8, $0x0;
	v9 =	vand.u32 $0x1D, v9  }
0xff: {  	v22 =	vor.u32 v3, v12;
	v9 =	vbroadcast v9, $0x0  }
0x100: {  	s2 =	simm.s32 $0x7;
	v21 =	vor.u32 v0, v8;
	[tilespmem:s31+$0xFFFFFFB0] =	vst v10  }
0x101: {  	s17 =	simm.s32 $0x6;
	v23 =	vor.u32 v0, v9;
	[tilespmem:s31+$0xFFFFFEB0] =	vst v15;
	v10 =	vmov s2;
	v15 =	vld.idx.msk [tilespmem:v13+s19+$0x0], $0xffff  }
0x102: {  	v25 =	vmov s17;
	[tilespmem:s31+$0xFFFFFF30] =	vst v11;
	v11 =	vor.u32 v4, v14;
	v20 =	vld.idx.msk [tilespmem:v20+s19+$0x0], $0xffff;
	v10 =	vand.u32 $0x1F, v10  }
0x103: {  	v24 =	vor.u32 v4, v17;
	[tilespmem:s31+$0xFFFFFE30] =	vst v19;
	v18 =	vld.idx.msk [tilespmem:v18+s19+$0x0], $0xffff;
	v13 =	vbroadcast v10, $0x0;
	v10 =	vand.u32 $0x1E, v25  }
0x104: {  	v19 =	vor.u32 v4, v16;
	v22 =	vld.idx.msk [tilespmem:v22+s19+$0x0], $0xffff;
	v10 =	vbroadcast v10, $0x0  }
0x105: {  	v21 =	vld.idx.msk [tilespmem:v21+s19+$0x0], $0xffff;
	v25 =	vor.u32 v0, v13  }
0x106: {  	v23 =	vld.idx.msk [tilespmem:v23+s19+$0x0], $0xffff;
	v26 =	vor.u32 v0, v10;
	[tilespmem:s31+$0xFFFFFFC0] =	vst v15  }
0x107: {  	s0 =	simm.s32 $0x8;
	v15 =	vor.u32 v4, v12;
	[tilespmem:s31+$0xFFFFFEC0] =	vst v20;
	v20 =	vld.idx.msk [tilespmem:v11+s19+$0x0], $0xffff  }
0x108: {  	[tilespmem:s31+$0xFFFFFF40] =	vst v18;
	v18 =	vor.u32 v5, v14;
	v11 =	vmov s0;
	v24 =	vld.idx.msk [tilespmem:v24+s19+$0x0], $0xffff  }
0x109: {  	v27 =	vor.u32 v5, v17;
	v19 =	vld.idx.msk [tilespmem:v19+s19+$0x0], $0xffff;
	v11 =	vand.u32 $0x1C, v11  }
0x10a: {  	[tilespmem:s31+$0xFFFFFE40] =	vst v22;
	v11 =	vbroadcast v11, $0x0;
	v22 =	vld.idx.msk [tilespmem:v25+s19+$0x0], $0xffff;
	v25 =	vor.u32 v5, v16  }
0x10b: {  	v30 =	vor.u32 v1, v13;
	v26 =	vld.idx.msk [tilespmem:v26+s19+$0x0], $0xffff  }
0x10c: {  	v28 =	vor.u32 v0, v11;
	v29 =	vld.idx.msk [tilespmem:v15+s19+$0x0], $0xffff;
	[tilespmem:s31+$0xFFFFFFD0] =	vst v20  }
0x10d: {  	v20 =	vor.u32 v1, v9;
	[tilespmem:s31+$0xFFFFFED0] =	vst v24;
	v18 =	vld.idx.msk [tilespmem:v18+s19+$0x0], $0xffff  }
0x10e: {  	s17 =	simm.s32 $0xACF0;
	v24 =	vor.u32 v1, v10;
	[tilespmem:s31+$0xFFFFFF50] =	vst v19;
	v27 =	vld.idx.msk [tilespmem:v27+s19+$0x0], $0xffff  }
0x10f: {  	v19 =	vld.idx.msk [tilespmem:v25+s19+$0x0], $0xffff;
	v25 =	vor.u32 v6, v14;
	[tilespmem:s17+$0xFFFFFF90] =	vst v22  }
0x110: {  	[tilespmem:s17+$0xFFFFFE90] =	vst v23;
	v23 =	vor.u32 v5, v12;
	v22 =	vld.idx.msk [tilespmem:v30+s19+$0x0], $0xffff  }
0x111: {  	[tilespmem:s17+$0xFFFFFE10] =	vst v21;
	v15 =	vld.idx.msk [tilespmem:v28+s19+$0x0], $0xffff;
	v28 =	vor.u32 v1, v8  }
0x112: {  	[tilespmem:s17+$0xFFFFFF10] =	vst v26;
	v26 =	vor.u32 v6, v17;
	v20 =	vld.idx.msk [tilespmem:v20+s19+$0x0], $0xffff  }
0x113: {  	v30 =	vor.u32 v2, v13;
	v24 =	vld.idx.msk [tilespmem:v24+s19+$0x0], $0xffff;
	[tilespmem:s31+$0xFFFFFFE0] =	vst v18  }
0x114: {  	v21 =	vor.u32 v2, v9;
	[tilespmem:s31+$0xFFFFFE50] =	vst v29;
	v25 =	vld.idx.msk [tilespmem:v25+s19+$0x0], $0xffff  }
0x115: {  	v14 =	vor.u32 v7, v14;
	v23 =	vld.idx.msk [tilespmem:v23+s19+$0x0], $0xffff;
	[tilespmem:s31+$0xFFFFFEE0] =	vst v27  }
0x116: {  	v31 =	vor.u32 v2, v10;
	[tilespmem:s17+$0xFFFFFFA0] =	vst v22;
	v28 =	vld.idx.msk [tilespmem:v28+s19+$0x0], $0xffff  }
0x117: {  	v32 =	vor.u32 v6, v12;
	v18 =	vld.idx.msk [tilespmem:v26+s19+$0x0], $0xffff;
	[tilespmem:s17+$0xFFFFFEA0] =	vst v20  }
0x118: {  	s21 =	simm.s32 $0x9;
	v27 =	vor.u32 v2, v8;
	v20 =	vld.idx.msk [tilespmem:v30+s19+$0x0], $0xffff;
	[tilespmem:s17+$0xFFFFFF20] =	vst v24  }
0x119: {  	v22 =	vor.u32 v6, v16;
	v30 =	vld.idx.msk [tilespmem:v21+s19+$0x0], $0xffff;
	v21 =	vmov s21;
	[tilespmem:s31+$0xFFFFFFF0] =	vst v25  }
0x11a: {  	v33 =	vor.u32 v3, v13;
	[tilespmem:s31+$0xFFFFFE60] =	vst v23;
	v26 =	vld.idx.msk [tilespmem:v14+s19+$0x0], $0xffff;
	v14 =	vand.u32 $0x1D, v21  }
0x11b: {  	v31 =	vld.idx.msk [tilespmem:v31+s19+$0x0], $0xffff;
	[tilespmem:s17+$0xFFFFFE20] =	vst v28;
	v28 =	vor.u32 v3, v9;
	v14 =	vbroadcast v14, $0x0  }
0x11c: {  	v29 =	vor.u32 v3, v10;
	[tilespmem:s31+$0xFFFFFF60] =	vst v19;
	v19 =	vld.idx.msk [tilespmem:v32+s19+$0x0], $0xffff  }
0x11d: {  	v24 =	vld.idx.msk [tilespmem:v27+s19+$0x0], $0xffff;
	[tilespmem:s17+$0xFFFFFFB0] =	vst v20;
	v20 =	vor.u32 v0, v14  }
0x11e: {  	v21 =	vld.idx.msk [tilespmem:v22+s19+$0x0], $0xffff;
	v27 =	vor.u32 v3, v8  }
0x11f: {  	v25 =	vor.u32 v7, v17;
	[tilespmem:s17+$0xFFFFFEB0] =	vst v30;
	v22 =	vld.idx.msk [tilespmem:v33+s19+$0x0], $0xffff  }
0x120: {  	s2 =	simm.s32 $0xC;
	s21 =	simm.s32 $0xB;
	[tilespmem:s17+$0xFFFFFF30] =	vst v31;
	v23 =	vld.idx.msk [tilespmem:v28+s19+$0x0], $0xffff;
	v28 =	vor.u32 v7, v16  }
.LBB2_5:
0x121: {  	p1 =	slt.u32 s2, $0x1C;
	v16 =	vmov s21;
	v17 =	vld.idx.msk [tilespmem:v29+s19+$0x0], $0xffff;
	v29 =	vor.u32 v4, v13;
	[tilespmem:s31+$0x0] =	vst v26  }
0x122: {  	s21 =	sadd.s32 $0x2, s0;
	s0 =	smov.u32 s2;
	v20 =	vld.idx.msk [tilespmem:v20+s19+$0x0], $0xffff;
	v16 =	vand.u32 $0x1F, v16;
	[tilespmem:s17+$0xFFFFFE30] =	vst v24;
	v24 =	vor.u32 v4, v9  }
0x123: {  	v30 =	vor.u32 v4, v10;
	v26 =	vmov s21;
	v16 =	vbroadcast v16, $0x0;
	v27 =	vld.idx.msk [tilespmem:v27+s19+$0x0], $0xffff;
	[tilespmem:s31+$0xFFFFFEF0] =	vst v18  }
0x124: {  	v18 =	vand.u32 $0x1E, v26;
	v26 =	vor.u32 v7, v12;
	v12 =	vmovc v8;
	v8 =	vmov v11;
	v25 =	vld.idx.msk [tilespmem:v25+s19+$0x0], $0xffff;
	[tilespmem:s31+$0xFFFFFF70] =	vst v21  }
0x125: {  	v31 =	vbroadcast v18, $0x0;
	v18 =	vor.u32 v0, v16;
	[tilespmem:s17+$0xFFFFFFC0] =	vst v22;
	v21 =	vld.idx.msk [tilespmem:v28+s19+$0x0], $0xffff  }
0x126: {  	v22 =	vor.u32 v4, v12;
	[tilespmem:s17+$0xFFFFFEC0] =	vst v23;
	v23 =	vld.idx.msk [tilespmem:v29+s19+$0x0], $0xffff  }
0x127: {  	v11 =	vmov s2;
	v28 =	vor.u32 v0, v31;
	v24 =	vld.idx.msk [tilespmem:v24+s19+$0x0], $0xffff;
	[tilespmem:s17+$0xFFFFFF40] =	vst v17  }
0x128: {  	v11 =	vand.u32 $0x1C, v11;
	v29 =	vor.u32 v5, v13;
	v17 =	vld.idx.msk [tilespmem:v30+s19+$0x0], $0xffff;
	[tilespmem:s31+$0xFFFFFE70] =	vst v19  }
0x129: {  	v11 =	vbroadcast v11, $0x0;
	v19 =	vor.u32 v5, v9;
	[tilespmem:s17+$0xFFFFFE40] =	vst v27;
	v26 =	vld.idx.msk [tilespmem:v26+s19+$0x0], $0xffff  }
0x12a: {  	v27 =	vor.u32 v5, v10;
	v18 =	vld.idx.msk [tilespmem:v18+s19+$0x0], $0xffff;
	[tilespmem:s31+$0xFFFFFF00] =	vst v25  }
0x12b: {  	v25 =	vor.u32 v0, v11;
	v22 =	vld.idx.msk [tilespmem:v22+s19+$0x0], $0xffff;
	[tilespmem:s31+$0xFFFFFF80] =	vst v21  }
0x12c: {  	v21 =	vld.idx.msk [tilespmem:v28+s19+$0x0], $0xffff;
	v28 =	vor.u32 v1, v16;
	[tilespmem:s17+$0xFFFFFFD0] =	vst v23  }
0x12d: {  	v23 =	vor.u32 v1, v14;
	[tilespmem:s17+$0xFFFFFED0] =	vst v24;
	v24 =	vld.idx.msk [tilespmem:v29+s19+$0x0], $0xffff  }
0x12e: {  	v29 =	vor.u32 v1, v31;
	v19 =	vld.idx.msk [tilespmem:v19+s19+$0x0], $0xffff;
	[tilespmem:s17+$0xFFFFFF50] =	vst v17  }
0x12f: {  	v17 =	vld.idx.msk [tilespmem:v27+s19+$0x0], $0xffff;
	v27 =	vor.u32 v6, v13;
	[tilespmem:s31+$0xFFFFFE80] =	vst v26;
	s31 =	smov.u32 s17;
	s17 =	sadd.s32 $0x200, s17  }
0x130: {  	v26 =	vor.u32 v1, v8;
	v25 =	vld.idx.msk [tilespmem:v25+s19+$0x0], $0xffff;
	[tilespmem:s17+$0xFFFFFF90] =	vst v18  }
0x131: {  	[tilespmem:s17+$0xFFFFFE90] =	vst v20;
	v18 =	vld.idx.msk [tilespmem:v28+s19+$0x0], $0xffff;
	v20 =	vor.u32 v5, v12  }
0x132: {  	v23 =	vld.idx.msk [tilespmem:v23+s19+$0x0], $0xffff;
	[tilespmem:s17+$0xFFFFFF10] =	vst v21;
	v21 =	vor.u32 v6, v9  }
0x133: {  	v28 =	vld.idx.msk [tilespmem:v29+s19+$0x0], $0xffff;
	v29 =	vor.u32 v2, v16;
	[tilespmem:s31+$0xFFFFFFE0] =	vst v24  }
0x134: {  	v24 =	vor.u32 v2, v14;
	[tilespmem:s17+$0xFFFFFE10] =	vst v15;
	v27 =	vld.idx.msk [tilespmem:v27+s19+$0x0], $0xffff  }
0x135: {  	v30 =	vor.u32 v2, v31;
	v26 =	vld.idx.msk [tilespmem:v26+s19+$0x0], $0xffff;
	[tilespmem:s31+$0xFFFFFE50] =	vst v22  }
0x136: {  	v15 =	vmov v25;
	v22 =	vld.idx.msk [tilespmem:v20+s19+$0x0], $0xffff;
	[tilespmem:s31+$0xFFFFFEE0] =	vst v19;
	v19 =	vor.u32 v7, v13;
	v13 =	vmov v16  }
0x137: {  	v16 =	vor.u32 v2, v8;
	[tilespmem:s17+$0xFFFFFFA0] =	vst v18;
	v18 =	vld.idx.msk [tilespmem:v21+s19+$0x0], $0xffff  }
0x138: {  	s21 =	sadd.s32 $0x1, s2;
	v21 =	vor.u32 v6, v10;
	[tilespmem:s17+$0xFFFFFEA0] =	vst v23;
	v23 =	vld.idx.msk [tilespmem:v29+s19+$0x0], $0xffff  }
0x139: {  	v20 =	vmov s21;
	v25 =	vld.idx.msk [tilespmem:v24+s19+$0x0], $0xffff;
	[tilespmem:s17+$0xFFFFFF20] =	vst v28;
	v28 =	vor.u32 v6, v12  }
0x13a: {  	v20 =	vand.u32 $0x1D, v20;
	v32 =	vor.u32 v3, v13;
	v30 =	vld.idx.msk [tilespmem:v30+s19+$0x0], $0xffff;
	[tilespmem:s31+$0xFFFFFFF0] =	vst v27  }
0x13b: {  	v34 =	vor.u32 v3, v14;
	v33 =	vbroadcast v20, $0x0;
	[tilespmem:s17+$0xFFFFFE20] =	vst v26;
	v26 =	vld.idx.msk [tilespmem:v19+s19+$0x0], $0xffff  }
.Ltmp3:
0x13c: {  	v29 =	vor.u32 v3, v31;
	v24 =	vld.idx.msk [tilespmem:v16+s19+$0x0], $0xffff;
	[tilespmem:s31+$0xFFFFFF60] =	vst v17;
	(pc) =	sbr.rel @p1 .LBB2_5-.Ltmp3, $4  }
0x13d: {  	v20 =	vor.u32 v0, v33;
	[tilespmem:s31+$0xFFFFFE60] =	vst v22;
	v21 =	vld.idx.msk [tilespmem:v21+s19+$0x0], $0xffff  }
0x13e: {  	v27 =	vor.u32 v3, v8;
	[tilespmem:s17+$0xFFFFFFB0] =	vst v23;
	v19 =	vld.idx.msk [tilespmem:v28+s19+$0x0], $0xffff  }
0x13f: {  	[tilespmem:s17+$0xFFFFFEB0] =	vst v25;
	v22 =	vld.idx.msk [tilespmem:v32+s19+$0x0], $0xffff;
	v25 =	vor.u32 v7, v9;
	v9 =	vmov v14;
	v14 =	vmov v33  }
0x140: {  	s2 =	sadd.s32 $0x4, s2;
	s21 =	sadd.s32 $0x3, s0;
	v28 =	vor.u32 v7, v10;
	v10 =	vmov v31;
	v23 =	vld.idx.msk [tilespmem:v34+s19+$0x0], $0xffff;
	[tilespmem:s17+$0xFFFFFF30] =	vst v30  }
0x141: {  	_ = 	snop  }
0x142: {  	[tilespmem:s31+$0x0] =	vst v26  }
0x143: {  	[tilespmem:s17+$0xFFFFFE30] =	vst v24  }
0x144: {  	v16 =	vmov s21;
	s0 =	sadd.s32 $0x2, s0;
	[tilespmem:s31+$0xFFFFFEF0] =	vst v18  }
0x145: {  	v63 =	vld.idx.msk [tilespmem:v29+s19+$0x0], $0xffff;
	v33 =	vor.u32 v4, v13;
	s21 =	sadd.s32 $0x200, s17;
	v16 =	vand.u32 $0x1F, v16;
	v30 =	vmov s0;
	[tilespmem:s31+$0xFFFFFF70] =	vst v21  }
0x146: {  	v34 =	vor.u32 v4, v9;
	v20 =	vld.idx.msk [tilespmem:v20+s19+$0x0], $0xffff;
	[tilespmem:s21+$0xFFFFFE10] =	vst v15;
	v17 =	vbroadcast v16, $0x0;
	v37 =	vand.u32 $0x1E, v30  }
0x147: {  	v12 =	vor.u32 v7, v12;
	v35 =	vld.idx.msk [tilespmem:v27+s19+$0x0], $0xffff;
	[tilespmem:s31+$0xFFFFFE70] =	vst v19;
	v16 =	vbroadcast v37, $0x0  }
0x148: {  	v38 =	vld.idx.msk [tilespmem:v25+s19+$0x0], $0xffff;
	[tilespmem:s17+$0xFFFFFFC0] =	vst v22;
	v39 =	vor.u32 v0, v17  }
0x149: {  	v40 =	vld.idx.msk [tilespmem:v28+s19+$0x0], $0xffff;
	[tilespmem:s17+$0xFFFFFEC0] =	vst v23;
	v42 =	vor.u32 v0, v16  }
0x14a: {  	v49 =	vor.u32 v1, v11;
	v41 =	vld.idx.msk [tilespmem:v33+s19+$0x0], $0xffff;
	[tilespmem:s17+$0xFFFFFF40] =	vst v63  }
0x14b: {  	v47 =	vor.u32 v1, v14;
	v24 =	vld.idx.msk [tilespmem:v34+s19+$0x0], $0xffff;
	[tilespmem:s21+$0xFFFFFE90] =	vst v20  }
0x14c: {  	v36 =	vor.u32 v4, v10;
	v12 =	vld.idx.msk [tilespmem:v12+s19+$0x0], $0xffff;
	[tilespmem:s17+$0xFFFFFE40] =	vst v35  }
0x14d: {  	v44 =	vor.u32 v5, v13;
	[tilespmem:s31+$0xFFFFFF00] =	vst v38;
	v25 =	vld.idx.msk [tilespmem:v39+s19+$0x0], $0xffff  }
0x14e: {  	v45 =	vor.u32 v1, v17;
	[tilespmem:s31+$0xFFFFFF80] =	vst v40;
	v46 =	vld.idx.msk [tilespmem:v42+s19+$0x0], $0xffff  }
0x14f: {  	v48 =	vor.u32 v1, v16;
	v57 =	vld.idx.msk [tilespmem:v49+s19+$0x0], $0xffff;
	[tilespmem:s17+$0xFFFFFFD0] =	vst v41  }
0x150: {  	v50 =	vor.u32 v4, v8;
	v53 =	vld.idx.msk [tilespmem:v47+s19+$0x0], $0xffff;
	[tilespmem:s17+$0xFFFFFED0] =	vst v24  }
0x151: {  	v56 =	vor.u32 v2, v14;
	v43 =	vld.idx.msk [tilespmem:v36+s19+$0x0], $0xffff;
	[tilespmem:s31+$0xFFFFFE80] =	vst v12  }
0x152: {  	v62 =	vor.u32 v5, v10;
	v18 =	vld.idx.msk [tilespmem:v44+s19+$0x0], $0xffff;
	[tilespmem:s21+$0xFFFFFF90] =	vst v25  }
0x153: {  	v60 =	vor.u32 v2, v11;
	v52 =	vld.idx.msk [tilespmem:v45+s19+$0x0], $0xffff;
	[tilespmem:s21+$0xFFFFFF10] =	vst v46  }
0x154: {  	v54 =	vor.u32 v2, v17;
	[tilespmem:s21+$0xFFFFFE20] =	vst v57;
	v55 =	vld.idx.msk [tilespmem:v48+s19+$0x0], $0xffff  }
0x155: {  	v58 =	vor.u32 v2, v16;
	v59 =	vld.idx.msk [tilespmem:v50+s19+$0x0], $0xffff;
	[tilespmem:s21+$0xFFFFFEA0] =	vst v53  }
0x156: {  	v33 =	vor.u32 v5, v8;
	[tilespmem:s17+$0xFFFFFF50] =	vst v43;
	v15 =	vld.idx.msk [tilespmem:v56+s19+$0x0], $0xffff  }
0x157: {  	v61 =	vor.u32 v6, v13;
	v20 =	vld.idx.msk [tilespmem:v62+s19+$0x0], $0xffff;
	[tilespmem:s17+$0xFFFFFFE0] =	vst v18  }
0x158: {  	v29 =	vor.u32 v3, v14;
	v18 =	vld.idx.msk [tilespmem:v60+s19+$0x0], $0xffff;
	[tilespmem:s21+$0xFFFFFFA0] =	vst v52  }
0x159: {  	v32 =	vor.u32 v3, v11;
	v63 =	vld.idx.msk [tilespmem:v54+s19+$0x0], $0xffff;
	[tilespmem:s21+$0xFFFFFF20] =	vst v55  }
0x15a: {  	v28 =	vor.u32 v3, v17;
	[tilespmem:s17+$0xFFFFFE50] =	vst v59;
	v19 =	vld.idx.msk [tilespmem:v58+s19+$0x0], $0xffff  }
0x15b: {  	v30 =	vor.u32 v3, v16;
	v41 =	vld.idx.msk [tilespmem:v33+s19+$0x0], $0xffff;
	[tilespmem:s21+$0xFFFFFEB0] =	vst v15  }
0x15c: {  	v51 =	vor.u32 v5, v9;
	v31 =	vld.idx.msk [tilespmem:v61+s19+$0x0], $0xffff;
	[tilespmem:s17+$0xFFFFFF60] =	vst v20  }
0x15d: {  	v34 =	vor.u32 v7, v13;
	v12 =	vld.idx.msk [tilespmem:v29+s19+$0x0], $0xffff;
	[tilespmem:s21+$0xFFFFFE30] =	vst v18  }
0x15e: {  	v38 =	vor.u32 v4, v14;
	v39 =	vld.idx.msk [tilespmem:v32+s19+$0x0], $0xffff;
	[tilespmem:s21+$0xFFFFFFB0] =	vst v63  }
0x15f: {  	v42 =	vor.u32 v4, v11;
	v35 =	vld.idx.msk [tilespmem:v28+s19+$0x0], $0xffff;
	[tilespmem:s21+$0xFFFFFF30] =	vst v19  }
0x160: {  	v36 =	vor.u32 v4, v17;
	[tilespmem:s17+$0xFFFFFE60] =	vst v41;
	v37 =	vld.idx.msk [tilespmem:v30+s19+$0x0], $0xffff  }
0x161: {  	v40 =	vor.u32 v4, v16;
	v25 =	vld.idx.msk [tilespmem:v51+s19+$0x0], $0xffff;
	[tilespmem:s17+$0xFFFFFFF0] =	vst v31  }
0x162: {  	v44 =	vor.u32 v6, v10;
	v13 =	vld.idx.msk [tilespmem:v34+s19+$0x0], $0xffff;
	[tilespmem:s21+$0xFFFFFEC0] =	vst v12  }
0x163: {  	v43 =	vor.u32 v6, v9;
	v18 =	vld.idx.msk [tilespmem:v38+s19+$0x0], $0xffff;
	[tilespmem:s21+$0xFFFFFE40] =	vst v39  }
0x164: {  	v47 =	vor.u32 v5, v14;
	v20 =	vld.idx.msk [tilespmem:v42+s19+$0x0], $0xffff;
	[tilespmem:s21+$0xFFFFFFC0] =	vst v35  }
0x165: {  	v50 =	vor.u32 v5, v11;
	v45 =	vld.idx.msk [tilespmem:v36+s19+$0x0], $0xffff;
	[tilespmem:s21+$0xFFFFFF40] =	vst v37  }
0x166: {  	v46 =	vor.u32 v5, v17;
	[tilespmem:s17+$0xFFFFFEE0] =	vst v25;
	v21 =	vld.idx.msk [tilespmem:v40+s19+$0x0], $0xffff  }
0x167: {  	v48 =	vor.u32 v5, v16;
	v15 =	vld.idx.msk [tilespmem:v44+s19+$0x0], $0xffff;
	[tilespmem:s17+$0x0] =	vst v13  }
0x168: {  	v51 =	vor.u32 v6, v8;
	v49 =	vld.idx.msk [tilespmem:v43+s19+$0x0], $0xffff;
	[tilespmem:s21+$0xFFFFFED0] =	vst v18  }
0x169: {  	v52 =	vor.u32 v7, v9;
	v18 =	vld.idx.msk [tilespmem:v47+s19+$0x0], $0xffff;
	[tilespmem:s21+$0xFFFFFE50] =	vst v20  }
0x16a: {  	v54 =	vor.u32 v6, v14;
	v13 =	vld.idx.msk [tilespmem:v50+s19+$0x0], $0xffff;
	[tilespmem:s21+$0xFFFFFFD0] =	vst v45  }
0x16b: {  	v57 =	vor.u32 v6, v11;
	v12 =	vld.idx.msk [tilespmem:v46+s19+$0x0], $0xffff;
	[tilespmem:s21+$0xFFFFFF50] =	vst v21  }
0x16c: {  	v53 =	vor.u32 v6, v17;
	[tilespmem:s17+$0xFFFFFF70] =	vst v15;
	v21 =	vld.idx.msk [tilespmem:v48+s19+$0x0], $0xffff  }
0x16d: {  	v56 =	vld.idx.msk [tilespmem:v51+s19+$0x0], $0xffff;
	v55 =	vor.u32 v6, v16;
	[tilespmem:s17+$0xFFFFFEF0] =	vst v49  }
0x16e: {  	v8 =	vor.u32 v7, v8;
	v9 =	vld.idx.msk [tilespmem:v52+s19+$0x0], $0xffff;
	[tilespmem:s21+$0xFFFFFEE0] =	vst v18  }
0x16f: {  	v58 =	vor.u32 v7, v10;
	v18 =	vld.idx.msk [tilespmem:v54+s19+$0x0], $0xffff;
	[tilespmem:s21+$0xFFFFFE60] =	vst v13  }
0x170: {  	v60 =	vor.u32 v7, v14;
	v15 =	vld.idx.msk [tilespmem:v57+s19+$0x0], $0xffff;
	[tilespmem:s21+$0xFFFFFFE0] =	vst v12  }
0x171: {  	v61 =	vor.u32 v7, v11;
	v12 =	vld.idx.msk [tilespmem:v53+s19+$0x0], $0xffff;
	[tilespmem:s21+$0xFFFFFF60] =	vst v21  }
0x172: {  	v17 =	vor.u32 v7, v17;
	[tilespmem:s17+$0xFFFFFE70] =	vst v56;
	v59 =	vld.idx.msk [tilespmem:v55+s19+$0x0], $0xffff  }
0x173: {  	v16 =	vor.u32 v7, v16;
	v8 =	vld.idx.msk [tilespmem:v8+s19+$0x0], $0xffff;
	[tilespmem:s17+$0xFFFFFF00] =	vst v9  }
0x174: {  	v10 =	vld.idx.msk [tilespmem:v58+s19+$0x0], $0xffff;
	[tilespmem:s21+$0xFFFFFEF0] =	vst v18  }
0x175: {  	v63 =	vld.idx.msk [tilespmem:v60+s19+$0x0], $0xffff;
	[tilespmem:s21+$0xFFFFFE70] =	vst v15  }
0x176: {  	v9 =	vld.idx.msk [tilespmem:v61+s19+$0x0], $0xffff;
	[tilespmem:s21+$0xFFFFFFF0] =	vst v12  }
0x177: {  	v62 =	vld.idx.msk [tilespmem:v17+s19+$0x0], $0xffff;
	[tilespmem:s21+$0xFFFFFF70] =	vst v59  }
0x178: {  	[tilespmem:s17+$0xFFFFFE80] =	vst v8;
	v13 =	vld.idx.msk [tilespmem:v16+s19+$0x0], $0xffff  }
0x179: {  	[tilespmem:s17+$0xFFFFFF80] =	vst v10  }
0x17a: {  	[tilespmem:s21+$0xFFFFFF00] =	vst v63  }
0x17b: {  	[tilespmem:s21+$0xFFFFFE80] =	vst v9  }
0x17c: {  	[tilespmem:s21+$0x0] =	vst v62  }
0x17d: {  	s2 =	sadd.s32 s14, s10;
	[tilespmem:s21+$0xFFFFFF80] =	vst v13  }
0x17e: {  	[hbm4b:s2+s3] =	stream.linear.scatter [tilespmem:s26], [sflag:$0x4], $0x400, $0x38;
	[tilespmem:$0xB900] =	vst v63  }
0x17f: {  	s17 =	sadd.s32 s14, s11  }
0x180: {  	[hbm4b:s17+s3] =	stream.linear.scatter [tilespmem:s28], [sflag:$0x4], $0x400, $0x38;
	[tilespmem:$0xB900] =	vst v63  }
.Ltmp4:
0x181: {  	_ = 	snop;
	(pc) =	sbr.rel @p0 .LBB2_8-.Ltmp4, $4  }
0x182: {  	s21 =	sadd.s32 s14, s12  }
0x183: {  	[hbm4b:s21+s3] =	stream.linear.scatter [tilespmem:s29], [sflag:$0x4], $0x400, $0x38;
	[tilespmem:$0xB900] =	vst v63  }
0x184: {  	s31 =	sadd.s32 s14, s13  }
0x185: {  	[hbm4b:s31+s3] =	stream.linear.scatter [tilespmem:s30], [sflag:$0x4], $0x400, $0x38;
	[tilespmem:$0xB900] =	vst v63  }
.Ltmp5:
0x186: {  	(pc) =	sbr.rel .LBB2_2-.Ltmp5, $4  }
0x187: {  	_ = 	snop  }
0x188: {  	s0 =	sshrl.u32 s5, $0x2  }
0x189: {  	s16 =	sadd.s32 $0x1, s16;
	s0 =	sadd.s32 $0x180, s0  }
0x18a: {  	[tilespmem:s19], [sflag:$0x2] =	stream.indirect.gather [hbm4b:s4+s15], $0x80, s0, s15, $0xb8;
	[tilespmem:$0xB900] =	vst v63  }
.LBB2_9:
0x18b: {  	_ =	sfence.sel $0x180000  }
0x18c: {  	[bflag:$0x0] =	sbarrier.arrive $0xFFFF  }
0x18d: {  	_ =	strace $0x90000047  }
0x18e: {  	s0 =	stileid.u32;
	[bflag:$0x2] =	sbarrier.arrive $0xFFFF  }
0x18f: {  	p0 =	sne.s32 s0, $0x0;
	s0 =	rddreg [dreg:$0x2]  }
0x190: {  	s0 =	sadd.s32 @!p0 $0x100000, s0  }
0x191: {  	[sflag:s0] =	ssyncadd.tile.s32 @!p0 $0x1;
	_ =	shalt  }
.Lfunc_end2:
_tile_overlayer_lowered:
.L_overlay_start_2:
0x192: {  	(tag) =	ssettag $0x2  }
0x193: {  	s0 =	rddreg [dreg:$0x0];
	s2 =	stileid.u32  }
0x194: {  	s1 =	rddreg [dreg:$0x1];
	p0 =	sne.s32 s2, $0x0  }
0x195: {  	s3 =	rddreg [dreg:$0x2];
	[bflag:$0x3] =	sbarrier.arrive $0xFFFF;
	s2 =	simm.s32 @!p0 $0x1C05  }
0x196: {  	[timem:s3], [sflag:s2] =	dma.local @!p0 [hbm:s0], s1  }
0x197: {  	s0 =	simm.s32 @!p0 $0x5  }
0x198: {  	_ =	swait.ge @!p0 [sflag:s0], s1  }
0x199: {  	s1 =	ssub.s32 @!p0 $0x0, s1;
	[sflag:s0] =	ssyncset.done @!p0 $0x0  }
0x19a: {  	[sflag:s0] =	ssyncadd.s32 @!p0 s1  }
0x19b: {  	[bflag:$0x3] =	sbarrier.arrive $0xFFFF  }
0x19c: {  	_ =	shalt  }

</sc_bundles>
